<compile_context>
chip_gen: v7x
topology: tpu7x:2x2x1
jax: 0.10.2.dev20260603
libtpu: 0.0.44.dev20260713+nightly
codegen_flags: <defaults>
</compile_context>

<pallas_src>
import functools

import jax
import jax.numpy as jnp
from jax import lax
from jax.experimental import pallas as pl
from jax.experimental.pallas import tpu as pltpu
from jax.experimental.pallas import tpu_sc as plsc

NC = 2
NS = 16
CH = 128
D = 128

N_OUT = 10240
DEG_PAD = N_OUT
PAD_ROWS = 128


def _edge_plan(e_tot):
    cps = -(-e_tot // (NS * NC * CH))
    if cps % 2:
        cps += 1
    e_pad = cps * NS * NC * CH
    return cps, e_pad



def _make_deg_kernel(chalf):
    rows_pt = DEG_PAD // NS
    mesh = plsc.VectorSubcoreMesh(core_axis_name="c", subcore_axis_name="s",
                                  num_cores=NC, num_subcores=NS)

    @functools.partial(
        pl.kernel,
        out_type=jax.ShapeDtypeStruct((NC, DEG_PAD), jnp.float32),
        mesh=mesh,
        scratch_types=[
            pltpu.VMEM((chalf, CH), jnp.int32),
            pltpu.VMEM((CH,), jnp.float32),
            pltpu.VMEM((rows_pt,), jnp.float32),
            pltpu.VMEM_SHARED((DEG_PAD,), jnp.float32),
        ],
    )
    def deg_kernel(dst_hbm, out_hbm, idx_v, ones_v, zb_v, acc):
        c = lax.axis_index("c")
        s = lax.axis_index("s")
        wid = s * NC + c
        one = jnp.ones((16,), jnp.float32)
        zero = jnp.zeros((16,), jnp.float32)
        for i in range(CH // 16):
            ones_v[pl.ds(i * 16, 16)] = one

        def zfill(r, carry):
            zb_v[pl.ds(r * 16, 16)] = zero
            return carry

        lax.fori_loop(0, rows_pt // 16, zfill, 0)
        pltpu.sync_copy(zb_v, acc.at[pl.ds(s * rows_pt, rows_pt)])
        plsc.subcore_barrier()

        pltpu.sync_copy(dst_hbm.at[wid], idx_v)

        def body(j, carry):
            pltpu.sync_copy(ones_v, acc.at[idx_v.at[j]], add=True)
            return carry

        lax.fori_loop(0, chalf, body, 0)
        plsc.subcore_barrier()
        pltpu.sync_copy(acc.at[pl.ds(s * rows_pt, rows_pt)],
                        out_hbm.at[c, pl.ds(s * rows_pt, rows_pt)])

    return deg_kernel


def _make_mp_kernel(cps):
    rows_pt = N_OUT // NS
    epw = cps * CH
    mesh = plsc.VectorSubcoreMesh(core_axis_name="c", subcore_axis_name="s",
                                  num_cores=NC, num_subcores=NS)

    @functools.partial(
        pl.kernel,
        out_type=jax.ShapeDtypeStruct((NC, N_OUT, D), jnp.float32),
        mesh=mesh,
        scratch_types=[
            pltpu.VMEM((cps, CH), jnp.int32),
            pltpu.VMEM((2, CH), jnp.int32),
            pltpu.VMEM((CH, D), jnp.float32),
            pltpu.VMEM((CH, D), jnp.float32),
            pltpu.VMEM_SHARED((N_OUT, D), jnp.float32),
            pltpu.SemaphoreType.DMA,
            pltpu.SemaphoreType.DMA,
            pltpu.SemaphoreType.DMA,
            pltpu.SemaphoreType.DMA,
        ],
    )
    def mp_kernel(g_hbm, src_hbm, dst_hbm, out_hbm,
                  dst_v, sidx, rows_a, rows_b, acc, i0, i1, g0, g1):
        c = lax.axis_index("c")
        s = lax.axis_index("s")
        zero = jnp.zeros((16,), jnp.float32)
        base = (s * NC + c) * epw

        pltpu.sync_copy(dst_hbm.at[s, c], dst_v)

        def zfill(r, carry):
            for i in range(D // 16):
                rows_a[r, pl.ds(i * 16, 16)] = zero
            return carry

        lax.fori_loop(0, CH, zfill, 0)
        for t in range(rows_pt // CH):
            pltpu.sync_copy(rows_a, acc.at[pl.ds(s * rows_pt + t * CH, CH), :])
        plsc.subcore_barrier()

        def sload(chunk, slot, sem):
            pltpu.async_copy(src_hbm.at[pl.ds(base + chunk * CH, CH)],
                             sidx.at[slot], sem)

        def sload_wait(chunk, slot, sem):
            pltpu.make_async_copy(src_hbm.at[pl.ds(base + chunk * CH, CH)],
                                  sidx.at[slot], sem).wait()

        sload(0, 0, i0)
        sload(1, 1, i1)
        sload_wait(0, 0, i0)
        pltpu.async_copy(g_hbm.at[sidx.at[0]], rows_a, g0)
        sload_wait(1, 1, i1)
        pltpu.async_copy(g_hbm.at[sidx.at[1]], rows_b, g1)

        def pair(p, carry):
            c0 = 2 * p
            c1 = c0 + 1
            pltpu.make_async_copy(g_hbm.at[sidx.at[0]], rows_a, g0).wait()
            sload(c0 + 2, 0, i0)
            pltpu.sync_copy(rows_a, acc.at[dst_v.at[c0]], add=True)
            sload_wait(c0 + 2, 0, i0)
            pltpu.async_copy(g_hbm.at[sidx.at[0]], rows_a, g0)
            pltpu.make_async_copy(g_hbm.at[sidx.at[1]], rows_b, g1).wait()
            sload(c1 + 2, 1, i1)
            pltpu.sync_copy(rows_b, acc.at[dst_v.at[c1]], add=True)
            sload_wait(c1 + 2, 1, i1)
            pltpu.async_copy(g_hbm.at[sidx.at[1]], rows_b, g1)
            return carry

        lax.fori_loop(0, cps // 2 - 1, pair, 0)
        pltpu.make_async_copy(g_hbm.at[sidx.at[0]], rows_a, g0).wait()
        pltpu.sync_copy(rows_a, acc.at[dst_v.at[cps - 2]], add=True)
        pltpu.make_async_copy(g_hbm.at[sidx.at[1]], rows_b, g1).wait()
        pltpu.sync_copy(rows_b, acc.at[dst_v.at[cps - 1]], add=True)
        plsc.subcore_barrier()
        pltpu.sync_copy(acc.at[pl.ds(s * rows_pt, rows_pt), :],
                        out_hbm.at[c, pl.ds(s * rows_pt, rows_pt), :])

    return mp_kernel



def _scale1_body(x_ref, w_ref, degp_ref, out_ref):
    deg = degp_ref[0] + degp_ref[1]
    dinv = lax.rsqrt(jnp.maximum(deg, 1e-12))
    h = jnp.dot(x_ref[...], w_ref[...], preferred_element_type=jnp.float32)
    out_ref[...] = h * dinv


def _layer_mid_body(sp_ref, degp_ref, b_ref, w_ref, out_ref):
    n = degp_ref.shape[1]
    deg = degp_ref[0] + degp_ref[1]
    dinv = lax.rsqrt(jnp.maximum(deg, 1e-12))
    ssum = sp_ref[0, :n, :] + sp_ref[1, :n, :]
    out1 = ssum * dinv + b_ref[...]
    a = jnp.where(out1 > 0, out1, 0.01 * out1)
    h = jnp.dot(a, w_ref[...], preferred_element_type=jnp.float32)
    out_ref[...] = h * dinv


def _final_body(sp_ref, degp_ref, b_ref, out_ref):
    n = out_ref.shape[0]
    deg = degp_ref[0] + degp_ref[1]
    dinv = lax.rsqrt(jnp.maximum(deg, 1e-12))
    ssum = sp_ref[0, :n, :] + sp_ref[1, :n, :]
    out_ref[...] = ssum * dinv + b_ref[...]



def kernel(x, edge_index, W1, b1, W2, b2):
    n, d = x.shape
    e = edge_index.shape[1]
    e_tot = e + n
    cps, e_pad = _edge_plan(e_tot)
    pad = e_pad - e_tot

    loop = jnp.arange(n, dtype=jnp.int32)
    pad_src = jnp.arange(pad, dtype=jnp.int32) % n
    pad_dst = n + (jnp.arange(pad, dtype=jnp.int32) % PAD_ROWS)
    src = jnp.concatenate([edge_index[0], loop, pad_src])
    dst = jnp.concatenate([edge_index[1], loop, pad_dst])
    dst4 = dst.reshape(NS, NC, cps, CH)

    dst_deg = dst.reshape(NS * NC, cps, CH)
    degp = _make_deg_kernel(cps)(dst_deg)
    degp_col = degp[:, :n, None]

    mp = _make_mp_kernel(cps)

    g1 = pl.pallas_call(
        _scale1_body,
        out_shape=jax.ShapeDtypeStruct((n, d), jnp.float32),
    )(x, W1, degp_col)

    s1 = mp(g1, src, dst4)

    g2 = pl.pallas_call(
        _layer_mid_body,
        out_shape=jax.ShapeDtypeStruct((n, d), jnp.float32),
    )(s1, degp_col, b1.reshape(1, d), W2)

    s2 = mp(g2, src, dst4)

    out = pl.pallas_call(
        _final_body,
        out_shape=jax.ShapeDtypeStruct((n, d), jnp.float32),
    )(s2, degp_col, b2.reshape(1, d))
    return out

# --- scband reference (transcript-rebuilt; emitter-appended) ---
"""Pipeline reference for scband-gnnencoder-20237885899162 (READ-ONLY COPY).

The authoritative reference and input builder live on the scoring server;
editing this copy changes nothing except your own understanding.
"""

import jax, jax.numpy as jnp
import numpy as np

N = 10000
D_IN = 128
D_HID = 128
D_OUT = 128
E = 320000


def setup_inputs(seed: int = 0) -> dict:
    key = jax.random.key(seed)
    ks = jax.random.split(key, 6)
    x = jax.random.normal(ks[0], (N, D_IN), dtype=jnp.float32)
    edge_index = jax.random.randint(ks[1], (2, E), 0, N, dtype=jnp.int32)
    W1 = jax.random.normal(ks[2], (D_IN, D_HID), dtype=jnp.float32) * 0.05
    b1 = jnp.zeros((D_HID,), dtype=jnp.float32)
    W2 = jax.random.normal(ks[3], (D_HID, D_OUT), dtype=jnp.float32) * 0.05
    b2 = jnp.zeros((D_OUT,), dtype=jnp.float32)
    return {"x": x, "edge_index": edge_index, "W1": W1, "b1": b1, "W2": W2, "b2": b2}


def _gcn_layer(x, src, dst, W, b):
    # PyG GCNConv: add self-loops (done by caller), symmetric normalization
    deg = jnp.zeros((N,), dtype=x.dtype).at[dst].add(1.0)
    deg_inv_sqrt = jnp.where(deg > 0, 1.0 / jnp.sqrt(jnp.maximum(deg, 1e-12)), 0.0)
    norm = deg_inv_sqrt[src] * deg_inv_sqrt[dst]
    h = x @ W
    msg = h[src] * norm[:, None]
    out = jnp.zeros((N, h.shape[1]), dtype=x.dtype).at[dst].add(msg)
    return out + b


def reference(x, edge_index, W1, b1, W2, b2):
    loop = jnp.arange(N, dtype=edge_index.dtype)
    src = jnp.concatenate([edge_index[0], loop])
    dst = jnp.concatenate([edge_index[1], loop])
    h = _gcn_layer(x, src, dst, W1, b1)
    h = jax.nn.leaky_relu(h, negative_slope=0.01)
    # dropout is identity in eval mode
    node_emb = _gcn_layer(h, src, dst, W2, b2)
    return node_emb

if __name__ == "__main__":
    import jax
    _d = setup_inputs()
    print(jax.jit(kernel)(*tuple(_d.values())))

</pallas_src>

<mosaic_0001>
#map = affine_map<(d0, d1) -> (0, 0, 0)>
#map1 = affine_map<(d0, d1) -> (0, 0)>
module attributes {stable_mosaic.version = 14 : i64} {
  func.func @deg_kernel(%arg0: i32, %arg1: i32, %arg2: memref<32x82x128xi32, #tpu.memory_space<hbm>>, %arg3: memref<2x10240xf32, #tpu.memory_space<hbm>>, %arg4: memref<82x128xi32, #tpu.memory_space<vmem>>, %arg5: memref<128xf32, #tpu.memory_space<vmem>>, %arg6: memref<640xf32, #tpu.memory_space<vmem>>, %arg7: memref<10240xf32, #tpu.memory_space<vmem_shared>>) attributes {dimension_semantics = [#tpu.dimension_semantics<core_parallel>, #tpu.dimension_semantics<subcore_parallel>], iteration_bounds = array<i64: 2, 16>, scalar_prefetch = 0 : i64, scratch_operands = 4 : i64, tpu.core_type = #tpu.core_type<sc_vector_subcore>, window_params = [{transform_indices = #map}, {transform_indices = #map1}]} {
    %mul3A = arith.constant 2 : i32
    %mul3A_0 = arith.muli %arg1, %mul3A : i32
    %add3A = arith.addi %mul3A_0, %arg0 : i32
    %broadcast_in_dim3A = arith.constant 1.000000e+00 : f32
    %broadcast_in_dim3A_1 = vector.broadcast %broadcast_in_dim3A : f32 to vector<16xf32>
    %broadcast_in_dim3A_2 = arith.constant 0.000000e+00 : f32
    %broadcast_in_dim3A_3 = vector.broadcast %broadcast_in_dim3A_2 : f32 to vector<16xf32>
    %swap3A = arith.constant 0 : index
    %swap3A_4 = tpu.vector_load %arg5[%swap3A] {strides = array<i32>} : memref<128xf32, #tpu.memory_space<vmem>>, vector<16xf32>,
    %swap3A_5 = vector.shape_cast %swap3A_4 : vector<16xf32> to vector<16xf32>
    %swap3A_6 = vector.shape_cast %broadcast_in_dim3A_1 : vector<16xf32> to vector<16xf32>
    tpu.vector_store %arg5[%swap3A], %swap3A_6 {strides = array<i32>} : memref<128xf32, #tpu.memory_space<vmem>>, vector<16xf32>,
    %swap3A_7 = arith.constant 16 : index
    %swap3A_8 = tpu.vector_load %arg5[%swap3A_7] {strides = array<i32>} : memref<128xf32, #tpu.memory_space<vmem>>, vector<16xf32>,
    %swap3A_9 = vector.shape_cast %swap3A_8 : vector<16xf32> to vector<16xf32>
    %swap3A_10 = vector.shape_cast %broadcast_in_dim3A_1 : vector<16xf32> to vector<16xf32>
    tpu.vector_store %arg5[%swap3A_7], %swap3A_10 {strides = array<i32>} : memref<128xf32, #tpu.memory_space<vmem>>, vector<16xf32>,
    %swap3A_11 = arith.constant 32 : index
    %swap3A_12 = tpu.vector_load %arg5[%swap3A_11] {strides = array<i32>} : memref<128xf32, #tpu.memory_space<vmem>>, vector<16xf32>,
    %swap3A_13 = vector.shape_cast %swap3A_12 : vector<16xf32> to vector<16xf32>
    %swap3A_14 = vector.shape_cast %broadcast_in_dim3A_1 : vector<16xf32> to vector<16xf32>
    tpu.vector_store %arg5[%swap3A_11], %swap3A_14 {strides = array<i32>} : memref<128xf32, #tpu.memory_space<vmem>>, vector<16xf32>,
    %swap3A_15 = arith.constant 48 : index
    %swap3A_16 = tpu.vector_load %arg5[%swap3A_15] {strides = array<i32>} : memref<128xf32, #tpu.memory_space<vmem>>, vector<16xf32>,
    %swap3A_17 = vector.shape_cast %swap3A_16 : vector<16xf32> to vector<16xf32>
    %swap3A_18 = vector.shape_cast %broadcast_in_dim3A_1 : vector<16xf32> to vector<16xf32>
    tpu.vector_store %arg5[%swap3A_15], %swap3A_18 {strides = array<i32>} : memref<128xf32, #tpu.memory_space<vmem>>, vector<16xf32>,
    %swap3A_19 = arith.constant 64 : index
    %swap3A_20 = tpu.vector_load %arg5[%swap3A_19] {strides = array<i32>} : memref<128xf32, #tpu.memory_space<vmem>>, vector<16xf32>,
    %swap3A_21 = vector.shape_cast %swap3A_20 : vector<16xf32> to vector<16xf32>
    %swap3A_22 = vector.shape_cast %broadcast_in_dim3A_1 : vector<16xf32> to vector<16xf32>
    tpu.vector_store %arg5[%swap3A_19], %swap3A_22 {strides = array<i32>} : memref<128xf32, #tpu.memory_space<vmem>>, vector<16xf32>,
    %swap3A_23 = arith.constant 80 : index
    %swap3A_24 = tpu.vector_load %arg5[%swap3A_23] {strides = array<i32>} : memref<128xf32, #tpu.memory_space<vmem>>, vector<16xf32>,
    %swap3A_25 = vector.shape_cast %swap3A_24 : vector<16xf32> to vector<16xf32>
    %swap3A_26 = vector.shape_cast %broadcast_in_dim3A_1 : vector<16xf32> to vector<16xf32>
    tpu.vector_store %arg5[%swap3A_23], %swap3A_26 {strides = array<i32>} : memref<128xf32, #tpu.memory_space<vmem>>, vector<16xf32>,
    %swap3A_27 = arith.constant 96 : index
    %swap3A_28 = tpu.vector_load %arg5[%swap3A_27] {strides = array<i32>} : memref<128xf32, #tpu.memory_space<vmem>>, vector<16xf32>,
    %swap3A_29 = vector.shape_cast %swap3A_28 : vector<16xf32> to vector<16xf32>
    %swap3A_30 = vector.shape_cast %broadcast_in_dim3A_1 : vector<16xf32> to vector<16xf32>
    tpu.vector_store %arg5[%swap3A_27], %swap3A_30 {strides = array<i32>} : memref<128xf32, #tpu.memory_space<vmem>>, vector<16xf32>,
    %swap3A_31 = arith.constant 112 : index
    %swap3A_32 = tpu.vector_load %arg5[%swap3A_31] {strides = array<i32>} : memref<128xf32, #tpu.memory_space<vmem>>, vector<16xf32>,
    %swap3A_33 = vector.shape_cast %swap3A_32 : vector<16xf32> to vector<16xf32>
    %swap3A_34 = vector.shape_cast %broadcast_in_dim3A_1 : vector<16xf32> to vector<16xf32>
    tpu.vector_store %arg5[%swap3A_31], %swap3A_34 {strides = array<i32>} : memref<128xf32, #tpu.memory_space<vmem>>, vector<16xf32>,
    %scan3A = arith.constant 0 : i32
    %scan3A_35 = arith.constant 0 : i32
    %scan3A_36 = arith.constant 40 : i32
    %scan3A_37 = arith.addi %scan3A_35, %scan3A_36 : i32
    %scan3A_38 = arith.constant 1 : i32
    scf.for %scan3A_53 = %scan3A_35 to %scan3A_37 step %scan3A_38  : i32 {
      %mul3A_54 = arith.constant 16 : i32
      %mul3A_55 = arith.muli %scan3A_53, %mul3A_54 : i32
      %swap3A_56 = arith.index_cast %mul3A_55 : i32 to index
      %swap3A_57 = tpu.vector_load %arg6[%swap3A_56] {strides = array<i32>} : memref<640xf32, #tpu.memory_space<vmem>>, vector<16xf32>,
      %swap3A_58 = vector.shape_cast %swap3A_57 : vector<16xf32> to vector<16xf32>
      %swap3A_59 = vector.shape_cast %broadcast_in_dim3A_3 : vector<16xf32> to vector<16xf32>
      tpu.vector_store %arg6[%swap3A_56], %swap3A_59 {strides = array<i32>} : memref<640xf32, #tpu.memory_space<vmem>>, vector<16xf32>,
    }
    %scan3A_39 = arith.constant 40 : i32
    %mul3A_40 = arith.constant 640 : i32
    %mul3A_41 = arith.muli %arg1, %mul3A_40 : i32
    "tpu.region"() ({
      %run_scoped3A = tpu.sem_alloc : memref<!tpu.dma_semaphore, #tpu.memory_space<semaphore_mem>>
      %dma_start3A = tpu.memref_slice %arg7[%mul3A_41] : memref<10240xf32, #tpu.memory_space<vmem_shared>> -> memref<640xf32, #tpu.memory_space<vmem_shared>>
      %dma_start3A_53 = tpu.memref_slice %arg7[%mul3A_41] : memref<10240xf32, #tpu.memory_space<vmem_shared>> -> memref<640xf32, #tpu.memory_space<vmem_shared>>
      tpu.enqueue_dma source(%arg6 : memref<640xf32, #tpu.memory_space<vmem>>) target(%dma_start3A_53 : memref<640xf32, #tpu.memory_space<vmem_shared>>) target_semaphore(%run_scoped3A : memref<!tpu.dma_semaphore, #tpu.memory_space<semaphore_mem>>)
      %dma_wait3A = tpu.memref_slice %arg7[%mul3A_41] : memref<10240xf32, #tpu.memory_space<vmem_shared>> -> memref<640xf32, #tpu.memory_space<vmem_shared>>
      %dma_wait3A_54 = tpu.memref_slice %arg7[%mul3A_41] : memref<10240xf32, #tpu.memory_space<vmem_shared>> -> memref<640xf32, #tpu.memory_space<vmem_shared>>
      tpu.wait_dma2 semaphore(%run_scoped3A : memref<!tpu.dma_semaphore, #tpu.memory_space<semaphore_mem>>) src(%arg6 : memref<640xf32, #tpu.memory_space<vmem>>) dst(%dma_wait3A_54 : memref<640xf32, #tpu.memory_space<vmem_shared>>)
      tpu.yield
    }) : () -> ()
    %barrier3A = arith.constant 0 : index
    tpu.barrier barrier_id(%barrier3A)
    "tpu.region"() ({
      %run_scoped3A = tpu.sem_alloc : memref<!tpu.dma_semaphore, #tpu.memory_space<semaphore_mem>>
      %dma_start3A = arith.constant 0 : i32
      %dma_start3A_53 = arith.constant 0 : i32
      %dma_start3A_54 = tpu.memref_slice %arg2[%add3A, %dma_start3A, %dma_start3A_53] : memref<32x82x128xi32, #tpu.memory_space<hbm>> -> memref<1x82x128xi32, #tpu.memory_space<hbm>>
      %dma_start3A_55 = tpu.memref_squeeze %dma_start3A_54 : memref<1x82x128xi32, #tpu.memory_space<hbm>> -> memref<82x128xi32, #tpu.memory_space<hbm>>
      %dma_start3A_56 = arith.constant 0 : i32
      %dma_start3A_57 = arith.constant 0 : i32
      %dma_start3A_58 = tpu.memref_slice %arg2[%add3A, %dma_start3A_56, %dma_start3A_57] : memref<32x82x128xi32, #tpu.memory_space<hbm>> -> memref<1x82x128xi32, #tpu.memory_space<hbm>>
      %dma_start3A_59 = tpu.memref_squeeze %dma_start3A_58 : memref<1x82x128xi32, #tpu.memory_space<hbm>> -> memref<82x128xi32, #tpu.memory_space<hbm>>
      tpu.enqueue_dma source(%dma_start3A_59 : memref<82x128xi32, #tpu.memory_space<hbm>>) target(%arg4 : memref<82x128xi32, #tpu.memory_space<vmem>>) target_semaphore(%run_scoped3A : memref<!tpu.dma_semaphore, #tpu.memory_space<semaphore_mem>>)
      %dma_wait3A = arith.constant 0 : i32
      %dma_wait3A_60 = arith.constant 0 : i32
      %dma_wait3A_61 = tpu.memref_slice %arg2[%add3A, %dma_wait3A, %dma_wait3A_60] : memref<32x82x128xi32, #tpu.memory_space<hbm>> -> memref<1x82x128xi32, #tpu.memory_space<hbm>>
      %dma_wait3A_62 = tpu.memref_squeeze %dma_wait3A_61 : memref<1x82x128xi32, #tpu.memory_space<hbm>> -> memref<82x128xi32, #tpu.memory_space<hbm>>
      %dma_wait3A_63 = arith.constant 0 : i32
      %dma_wait3A_64 = arith.constant 0 : i32
      %dma_wait3A_65 = tpu.memref_slice %arg2[%add3A, %dma_wait3A_63, %dma_wait3A_64] : memref<32x82x128xi32, #tpu.memory_space<hbm>> -> memref<1x82x128xi32, #tpu.memory_space<hbm>>
      %dma_wait3A_66 = tpu.memref_squeeze %dma_wait3A_65 : memref<1x82x128xi32, #tpu.memory_space<hbm>> -> memref<82x128xi32, #tpu.memory_space<hbm>>
      tpu.wait_dma2 semaphore(%run_scoped3A : memref<!tpu.dma_semaphore, #tpu.memory_space<semaphore_mem>>) src(%dma_wait3A_66 : memref<82x128xi32, #tpu.memory_space<hbm>>) dst(%arg4 : memref<82x128xi32, #tpu.memory_space<vmem>>)
      tpu.yield
    }) : () -> ()
    %scan3A_42 = arith.constant 0 : i32
    %scan3A_43 = arith.constant 0 : i32
    %scan3A_44 = arith.constant 82 : i32
    %scan3A_45 = arith.addi %scan3A_43, %scan3A_44 : i32
    %scan3A_46 = arith.constant 1 : i32
    scf.for %scan3A_53 = %scan3A_43 to %scan3A_45 step %scan3A_46  : i32 {
      "tpu.region"() ({
        %run_scoped3A = tpu.sem_alloc : memref<!tpu.dma_semaphore, #tpu.memory_space<semaphore_mem>>
        %dma_start3A = arith.constant 0 : i32
        %dma_start3A_54 = tpu.memref_slice %arg4[%scan3A_53, %dma_start3A] : memref<82x128xi32, #tpu.memory_space<vmem>> -> memref<1x128xi32, #tpu.memory_space<vmem>>
        %dma_start3A_55 = tpu.memref_squeeze %dma_start3A_54 : memref<1x128xi32, #tpu.memory_space<vmem>> -> memref<128xi32, #tpu.memory_space<vmem>>
        %dma_start3A_56 = arith.constant 0 : i32
        %dma_start3A_57 = tpu.memref_slice %arg7[%dma_start3A_56] : memref<10240xf32, #tpu.memory_space<vmem_shared>> -> memref<10240xf32, #tpu.memory_space<vmem_shared>>
        tpu.enqueue_indirect_dma source(%arg5 : memref<128xf32, #tpu.memory_space<vmem>>) target(%dma_start3A_57 : memref<10240xf32, #tpu.memory_space<vmem_shared>>) offsets(%dma_start3A_55 : memref<128xi32, #tpu.memory_space<vmem>>) semaphore(%run_scoped3A : memref<!tpu.dma_semaphore, #tpu.memory_space<semaphore_mem>>) {add = true}
        %dma_wait3A = arith.constant 0 : i32
        %dma_wait3A_58 = tpu.memref_slice %arg4[%scan3A_53, %dma_wait3A] : memref<82x128xi32, #tpu.memory_space<vmem>> -> memref<1x128xi32, #tpu.memory_space<vmem>>
        %dma_wait3A_59 = tpu.memref_squeeze %dma_wait3A_58 : memref<1x128xi32, #tpu.memory_space<vmem>> -> memref<128xi32, #tpu.memory_space<vmem>>
        %dma_wait3A_60 = arith.constant 0 : i32
        %dma_wait3A_61 = tpu.memref_slice %arg7[%dma_wait3A_60] : memref<10240xf32, #tpu.memory_space<vmem_shared>> -> memref<10240xf32, #tpu.memory_space<vmem_shared>>
        tpu.wait_indirect_dma semaphore(%run_scoped3A : memref<!tpu.dma_semaphore, #tpu.memory_space<semaphore_mem>>) src(%arg5 : memref<128xf32, #tpu.memory_space<vmem>>) dst(%dma_wait3A_61 : memref<10240xf32, #tpu.memory_space<vmem_shared>>)
        tpu.yield
      }) : () -> ()
    }
    %scan3A_47 = arith.constant 82 : i32
    %barrier3A_48 = arith.constant 0 : index
    tpu.barrier barrier_id(%barrier3A_48)
    %mul3A_49 = arith.constant 640 : i32
    %mul3A_50 = arith.muli %arg1, %mul3A_49 : i32
    %mul3A_51 = arith.constant 640 : i32
    %mul3A_52 = arith.muli %arg1, %mul3A_51 : i32
    "tpu.region"() ({
      %run_scoped3A = tpu.sem_alloc : memref<!tpu.dma_semaphore, #tpu.memory_space<semaphore_mem>>
      %dma_start3A = tpu.memref_slice %arg3[%arg0, %mul3A_52] : memref<2x10240xf32, #tpu.memory_space<hbm>> -> memref<1x640xf32, #tpu.memory_space<hbm>>
      %dma_start3A_53 = tpu.memref_squeeze %dma_start3A : memref<1x640xf32, #tpu.memory_space<hbm>> -> memref<640xf32, #tpu.memory_space<hbm>>
      %dma_start3A_54 = tpu.memref_slice %arg7[%mul3A_50] : memref<10240xf32, #tpu.memory_space<vmem_shared>> -> memref<640xf32, #tpu.memory_space<vmem_shared>>
      tpu.enqueue_dma source(%dma_start3A_54 : memref<640xf32, #tpu.memory_space<vmem_shared>>) target(%dma_start3A_53 : memref<640xf32, #tpu.memory_space<hbm>>) target_semaphore(%run_scoped3A : memref<!tpu.dma_semaphore, #tpu.memory_space<semaphore_mem>>)
      %dma_wait3A = tpu.memref_slice %arg3[%arg0, %mul3A_52] : memref<2x10240xf32, #tpu.memory_space<hbm>> -> memref<1x640xf32, #tpu.memory_space<hbm>>
      %dma_wait3A_55 = tpu.memref_squeeze %dma_wait3A : memref<1x640xf32, #tpu.memory_space<hbm>> -> memref<640xf32, #tpu.memory_space<hbm>>
      %dma_wait3A_56 = tpu.memref_slice %arg7[%mul3A_50] : memref<10240xf32, #tpu.memory_space<vmem_shared>> -> memref<640xf32, #tpu.memory_space<vmem_shared>>
      tpu.wait_dma2 semaphore(%run_scoped3A : memref<!tpu.dma_semaphore, #tpu.memory_space<semaphore_mem>>) src(%dma_wait3A_56 : memref<640xf32, #tpu.memory_space<vmem_shared>>) dst(%dma_wait3A_55 : memref<640xf32, #tpu.memory_space<hbm>>)
      tpu.yield
    }) : () -> ()
    return
  }
}

#map = affine_map<(d0, d1) -> (0, 0)>
#map1 = affine_map<(d0, d1) -> (0)>
#map2 = affine_map<(d0, d1) -> (0, 0, 0, 0)>
#map3 = affine_map<(d0, d1) -> (0, 0, 0)>
module attributes {stable_mosaic.version = 14 : i64} {
  func.func @mp_kernel(%arg0: i32, %arg1: i32, %arg2: memref<10000x128xf32, #tpu.memory_space<hbm>>, %arg3: memref<335872xi32, #tpu.memory_space<hbm>>, %arg4: memref<16x2x82x128xi32, #tpu.memory_space<hbm>>, %arg5: memref<2x10240x128xf32, #tpu.memory_space<hbm>>, %arg6: memref<82x128xi32, #tpu.memory_space<vmem>>, %arg7: memref<2x128xi32, #tpu.memory_space<vmem>>, %arg8: memref<128x128xf32, #tpu.memory_space<vmem>>, %arg9: memref<128x128xf32, #tpu.memory_space<vmem>>, %arg10: memref<10240x128xf32, #tpu.memory_space<vmem_shared>>, %arg11: memref<!tpu.dma_semaphore, #tpu.memory_space<semaphore_mem>>, %arg12: memref<!tpu.dma_semaphore, #tpu.memory_space<semaphore_mem>>, %arg13: memref<!tpu.dma_semaphore, #tpu.memory_space<semaphore_mem>>, %arg14: memref<!tpu.dma_semaphore, #tpu.memory_space<semaphore_mem>>) attributes {dimension_semantics = [#tpu.dimension_semantics<core_parallel>, #tpu.dimension_semantics<subcore_parallel>], iteration_bounds = array<i64: 2, 16>, scalar_prefetch = 0 : i64, scratch_operands = 9 : i64, tpu.core_type = #tpu.core_type<sc_vector_subcore>, window_params = [{transform_indices = #map}, {transform_indices = #map1}, {transform_indices = #map2}, {transform_indices = #map3}]} {
    %broadcast_in_dim3A = arith.constant 0.000000e+00 : f32
    %broadcast_in_dim3A_0 = vector.broadcast %broadcast_in_dim3A : f32 to vector<16xf32>
    %mul3A = arith.constant 2 : i32
    %mul3A_1 = arith.muli %arg1, %mul3A : i32
    %add3A = arith.addi %mul3A_1, %arg0 : i32
    %mul3A_2 = arith.constant 10496 : i32
    %mul3A_3 = arith.muli %add3A, %mul3A_2 : i32
    "tpu.region"() ({
      %run_scoped3A_111 = tpu.sem_alloc : memref<!tpu.dma_semaphore, #tpu.memory_space<semaphore_mem>>
      %dma_start3A_112 = arith.constant 0 : i32
      %dma_start3A_113 = arith.constant 0 : i32
      %dma_start3A_114 = tpu.memref_slice %arg4[%arg1, %arg0, %dma_start3A_112, %dma_start3A_113] : memref<16x2x82x128xi32, #tpu.memory_space<hbm>> -> memref<1x1x82x128xi32, #tpu.memory_space<hbm>>
      %dma_start3A_115 = tpu.memref_squeeze %dma_start3A_114 : memref<1x1x82x128xi32, #tpu.memory_space<hbm>> -> memref<82x128xi32, #tpu.memory_space<hbm>>
      %dma_start3A_116 = arith.constant 0 : i32
      %dma_start3A_117 = arith.constant 0 : i32
      %dma_start3A_118 = tpu.memref_slice %arg4[%arg1, %arg0, %dma_start3A_116, %dma_start3A_117] : memref<16x2x82x128xi32, #tpu.memory_space<hbm>> -> memref<1x1x82x128xi32, #tpu.memory_space<hbm>>
      %dma_start3A_119 = tpu.memref_squeeze %dma_start3A_118 : memref<1x1x82x128xi32, #tpu.memory_space<hbm>> -> memref<82x128xi32, #tpu.memory_space<hbm>>
      tpu.enqueue_dma source(%dma_start3A_119 : memref<82x128xi32, #tpu.memory_space<hbm>>) target(%arg6 : memref<82x128xi32, #tpu.memory_space<vmem>>) target_semaphore(%run_scoped3A_111 : memref<!tpu.dma_semaphore, #tpu.memory_space<semaphore_mem>>)
      %dma_wait3A_120 = arith.constant 0 : i32
      %dma_wait3A_121 = arith.constant 0 : i32
      %dma_wait3A_122 = tpu.memref_slice %arg4[%arg1, %arg0, %dma_wait3A_120, %dma_wait3A_121] : memref<16x2x82x128xi32, #tpu.memory_space<hbm>> -> memref<1x1x82x128xi32, #tpu.memory_space<hbm>>
      %dma_wait3A_123 = tpu.memref_squeeze %dma_wait3A_122 : memref<1x1x82x128xi32, #tpu.memory_space<hbm>> -> memref<82x128xi32, #tpu.memory_space<hbm>>
      %dma_wait3A_124 = arith.constant 0 : i32
      %dma_wait3A_125 = arith.constant 0 : i32
      %dma_wait3A_126 = tpu.memref_slice %arg4[%arg1, %arg0, %dma_wait3A_124, %dma_wait3A_125] : memref<16x2x82x128xi32, #tpu.memory_space<hbm>> -> memref<1x1x82x128xi32, #tpu.memory_space<hbm>>
      %dma_wait3A_127 = tpu.memref_squeeze %dma_wait3A_126 : memref<1x1x82x128xi32, #tpu.memory_space<hbm>> -> memref<82x128xi32, #tpu.memory_space<hbm>>
      tpu.wait_dma2 semaphore(%run_scoped3A_111 : memref<!tpu.dma_semaphore, #tpu.memory_space<semaphore_mem>>) src(%dma_wait3A_127 : memref<82x128xi32, #tpu.memory_space<hbm>>) dst(%arg6 : memref<82x128xi32, #tpu.memory_space<vmem>>)
      tpu.yield
    }) : () -> ()
    %scan3A = arith.constant 0 : i32
    %scan3A_4 = arith.constant 0 : i32
    %scan3A_5 = arith.constant 128 : i32
    %scan3A_6 = arith.addi %scan3A_4, %scan3A_5 : i32
    %scan3A_7 = arith.constant 1 : i32
    scf.for %scan3A_111 = %scan3A_4 to %scan3A_6 step %scan3A_7  : i32 {
      %swap3A = arith.index_cast %scan3A_111 : i32 to index
      %swap3A_112 = arith.constant 0 : index
      %swap3A_113 = tpu.vector_load %arg8[%swap3A, %swap3A_112] {strides = array<i32>} : memref<128x128xf32, #tpu.memory_space<vmem>>, vector<1x16xf32>,
      %swap3A_114 = vector.shape_cast %swap3A_113 : vector<1x16xf32> to vector<16xf32>
      %swap3A_115 = vector.shape_cast %broadcast_in_dim3A_0 : vector<16xf32> to vector<1x16xf32>
      tpu.vector_store %arg8[%swap3A, %swap3A_112], %swap3A_115 {strides = array<i32>} : memref<128x128xf32, #tpu.memory_space<vmem>>, vector<1x16xf32>,
      %swap3A_116 = arith.index_cast %scan3A_111 : i32 to index
      %swap3A_117 = arith.constant 16 : index
      %swap3A_118 = tpu.vector_load %arg8[%swap3A_116, %swap3A_117] {strides = array<i32>} : memref<128x128xf32, #tpu.memory_space<vmem>>, vector<1x16xf32>,
      %swap3A_119 = vector.shape_cast %swap3A_118 : vector<1x16xf32> to vector<16xf32>
      %swap3A_120 = vector.shape_cast %broadcast_in_dim3A_0 : vector<16xf32> to vector<1x16xf32>
      tpu.vector_store %arg8[%swap3A_116, %swap3A_117], %swap3A_120 {strides = array<i32>} : memref<128x128xf32, #tpu.memory_space<vmem>>, vector<1x16xf32>,
      %swap3A_121 = arith.index_cast %scan3A_111 : i32 to index
      %swap3A_122 = arith.constant 32 : index
      %swap3A_123 = tpu.vector_load %arg8[%swap3A_121, %swap3A_122] {strides = array<i32>} : memref<128x128xf32, #tpu.memory_space<vmem>>, vector<1x16xf32>,
      %swap3A_124 = vector.shape_cast %swap3A_123 : vector<1x16xf32> to vector<16xf32>
      %swap3A_125 = vector.shape_cast %broadcast_in_dim3A_0 : vector<16xf32> to vector<1x16xf32>
      tpu.vector_store %arg8[%swap3A_121, %swap3A_122], %swap3A_125 {strides = array<i32>} : memref<128x128xf32, #tpu.memory_space<vmem>>, vector<1x16xf32>,
      %swap3A_126 = arith.index_cast %scan3A_111 : i32 to index
      %swap3A_127 = arith.constant 48 : index
      %swap3A_128 = tpu.vector_load %arg8[%swap3A_126, %swap3A_127] {strides = array<i32>} : memref<128x128xf32, #tpu.memory_space<vmem>>, vector<1x16xf32>,
      %swap3A_129 = vector.shape_cast %swap3A_128 : vector<1x16xf32> to vector<16xf32>
      %swap3A_130 = vector.shape_cast %broadcast_in_dim3A_0 : vector<16xf32> to vector<1x16xf32>
      tpu.vector_store %arg8[%swap3A_126, %swap3A_127], %swap3A_130 {strides = array<i32>} : memref<128x128xf32, #tpu.memory_space<vmem>>, vector<1x16xf32>,
      %swap3A_131 = arith.index_cast %scan3A_111 : i32 to index
      %swap3A_132 = arith.constant 64 : index
      %swap3A_133 = tpu.vector_load %arg8[%swap3A_131, %swap3A_132] {strides = array<i32>} : memref<128x128xf32, #tpu.memory_space<vmem>>, vector<1x16xf32>,
      %swap3A_134 = vector.shape_cast %swap3A_133 : vector<1x16xf32> to vector<16xf32>
      %swap3A_135 = vector.shape_cast %broadcast_in_dim3A_0 : vector<16xf32> to vector<1x16xf32>
      tpu.vector_store %arg8[%swap3A_131, %swap3A_132], %swap3A_135 {strides = array<i32>} : memref<128x128xf32, #tpu.memory_space<vmem>>, vector<1x16xf32>,
      %swap3A_136 = arith.index_cast %scan3A_111 : i32 to index
      %swap3A_137 = arith.constant 80 : index
      %swap3A_138 = tpu.vector_load %arg8[%swap3A_136, %swap3A_137] {strides = array<i32>} : memref<128x128xf32, #tpu.memory_space<vmem>>, vector<1x16xf32>,
      %swap3A_139 = vector.shape_cast %swap3A_138 : vector<1x16xf32> to vector<16xf32>
      %swap3A_140 = vector.shape_cast %broadcast_in_dim3A_0 : vector<16xf32> to vector<1x16xf32>
      tpu.vector_store %arg8[%swap3A_136, %swap3A_137], %swap3A_140 {strides = array<i32>} : memref<128x128xf32, #tpu.memory_space<vmem>>, vector<1x16xf32>,
      %swap3A_141 = arith.index_cast %scan3A_111 : i32 to index
      %swap3A_142 = arith.constant 96 : index
      %swap3A_143 = tpu.vector_load %arg8[%swap3A_141, %swap3A_142] {strides = array<i32>} : memref<128x128xf32, #tpu.memory_space<vmem>>, vector<1x16xf32>,
      %swap3A_144 = vector.shape_cast %swap3A_143 : vector<1x16xf32> to vector<16xf32>
      %swap3A_145 = vector.shape_cast %broadcast_in_dim3A_0 : vector<16xf32> to vector<1x16xf32>
      tpu.vector_store %arg8[%swap3A_141, %swap3A_142], %swap3A_145 {strides = array<i32>} : memref<128x128xf32, #tpu.memory_space<vmem>>, vector<1x16xf32>,
      %swap3A_146 = arith.index_cast %scan3A_111 : i32 to index
      %swap3A_147 = arith.constant 112 : index
      %swap3A_148 = tpu.vector_load %arg8[%swap3A_146, %swap3A_147] {strides = array<i32>} : memref<128x128xf32, #tpu.memory_space<vmem>>, vector<1x16xf32>,
      %swap3A_149 = vector.shape_cast %swap3A_148 : vector<1x16xf32> to vector<16xf32>
      %swap3A_150 = vector.shape_cast %broadcast_in_dim3A_0 : vector<16xf32> to vector<1x16xf32>
      tpu.vector_store %arg8[%swap3A_146, %swap3A_147], %swap3A_150 {strides = array<i32>} : memref<128x128xf32, #tpu.memory_space<vmem>>, vector<1x16xf32>,
    }
    %scan3A_8 = arith.constant 128 : i32
    %mul3A_9 = arith.constant 640 : i32
    %mul3A_10 = arith.muli %arg1, %mul3A_9 : i32
    %add3A_11 = arith.constant 0 : i32
    %add3A_12 = arith.addi %mul3A_10, %add3A_11 : i32
    "tpu.region"() ({
      %run_scoped3A_111 = tpu.sem_alloc : memref<!tpu.dma_semaphore, #tpu.memory_space<semaphore_mem>>
      %dma_start3A_112 = arith.constant 0 : i32
      %dma_start3A_113 = tpu.memref_slice %arg10[%add3A_12, %dma_start3A_112] : memref<10240x128xf32, #tpu.memory_space<vmem_shared>> -> memref<128x128xf32, #tpu.memory_space<vmem_shared>>
      %dma_start3A_114 = arith.constant 0 : i32
      %dma_start3A_115 = tpu.memref_slice %arg10[%add3A_12, %dma_start3A_114] : memref<10240x128xf32, #tpu.memory_space<vmem_shared>> -> memref<128x128xf32, #tpu.memory_space<vmem_shared>>
      tpu.enqueue_dma source(%arg8 : memref<128x128xf32, #tpu.memory_space<vmem>>) target(%dma_start3A_115 : memref<128x128xf32, #tpu.memory_space<vmem_shared>>) target_semaphore(%run_scoped3A_111 : memref<!tpu.dma_semaphore, #tpu.memory_space<semaphore_mem>>)
      %dma_wait3A_116 = arith.constant 0 : i32
      %dma_wait3A_117 = tpu.memref_slice %arg10[%add3A_12, %dma_wait3A_116] : memref<10240x128xf32, #tpu.memory_space<vmem_shared>> -> memref<128x128xf32, #tpu.memory_space<vmem_shared>>
      %dma_wait3A_118 = arith.constant 0 : i32
      %dma_wait3A_119 = tpu.memref_slice %arg10[%add3A_12, %dma_wait3A_118] : memref<10240x128xf32, #tpu.memory_space<vmem_shared>> -> memref<128x128xf32, #tpu.memory_space<vmem_shared>>
      tpu.wait_dma2 semaphore(%run_scoped3A_111 : memref<!tpu.dma_semaphore, #tpu.memory_space<semaphore_mem>>) src(%arg8 : memref<128x128xf32, #tpu.memory_space<vmem>>) dst(%dma_wait3A_119 : memref<128x128xf32, #tpu.memory_space<vmem_shared>>)
      tpu.yield
    }) : () -> ()
    %mul3A_13 = arith.constant 640 : i32
    %mul3A_14 = arith.muli %arg1, %mul3A_13 : i32
    %add3A_15 = arith.constant 128 : i32
    %add3A_16 = arith.addi %mul3A_14, %add3A_15 : i32
    "tpu.region"() ({
      %run_scoped3A_111 = tpu.sem_alloc : memref<!tpu.dma_semaphore, #tpu.memory_space<semaphore_mem>>
      %dma_start3A_112 = arith.constant 0 : i32
      %dma_start3A_113 = tpu.memref_slice %arg10[%add3A_16, %dma_start3A_112] : memref<10240x128xf32, #tpu.memory_space<vmem_shared>> -> memref<128x128xf32, #tpu.memory_space<vmem_shared>>
      %dma_start3A_114 = arith.constant 0 : i32
      %dma_start3A_115 = tpu.memref_slice %arg10[%add3A_16, %dma_start3A_114] : memref<10240x128xf32, #tpu.memory_space<vmem_shared>> -> memref<128x128xf32, #tpu.memory_space<vmem_shared>>
      tpu.enqueue_dma source(%arg8 : memref<128x128xf32, #tpu.memory_space<vmem>>) target(%dma_start3A_115 : memref<128x128xf32, #tpu.memory_space<vmem_shared>>) target_semaphore(%run_scoped3A_111 : memref<!tpu.dma_semaphore, #tpu.memory_space<semaphore_mem>>)
      %dma_wait3A_116 = arith.constant 0 : i32
      %dma_wait3A_117 = tpu.memref_slice %arg10[%add3A_16, %dma_wait3A_116] : memref<10240x128xf32, #tpu.memory_space<vmem_shared>> -> memref<128x128xf32, #tpu.memory_space<vmem_shared>>
      %dma_wait3A_118 = arith.constant 0 : i32
      %dma_wait3A_119 = tpu.memref_slice %arg10[%add3A_16, %dma_wait3A_118] : memref<10240x128xf32, #tpu.memory_space<vmem_shared>> -> memref<128x128xf32, #tpu.memory_space<vmem_shared>>
      tpu.wait_dma2 semaphore(%run_scoped3A_111 : memref<!tpu.dma_semaphore, #tpu.memory_space<semaphore_mem>>) src(%arg8 : memref<128x128xf32, #tpu.memory_space<vmem>>) dst(%dma_wait3A_119 : memref<128x128xf32, #tpu.memory_space<vmem_shared>>)
      tpu.yield
    }) : () -> ()
    %mul3A_17 = arith.constant 640 : i32
    %mul3A_18 = arith.muli %arg1, %mul3A_17 : i32
    %add3A_19 = arith.constant 256 : i32
    %add3A_20 = arith.addi %mul3A_18, %add3A_19 : i32
    "tpu.region"() ({
      %run_scoped3A_111 = tpu.sem_alloc : memref<!tpu.dma_semaphore, #tpu.memory_space<semaphore_mem>>
      %dma_start3A_112 = arith.constant 0 : i32
      %dma_start3A_113 = tpu.memref_slice %arg10[%add3A_20, %dma_start3A_112] : memref<10240x128xf32, #tpu.memory_space<vmem_shared>> -> memref<128x128xf32, #tpu.memory_space<vmem_shared>>
      %dma_start3A_114 = arith.constant 0 : i32
      %dma_start3A_115 = tpu.memref_slice %arg10[%add3A_20, %dma_start3A_114] : memref<10240x128xf32, #tpu.memory_space<vmem_shared>> -> memref<128x128xf32, #tpu.memory_space<vmem_shared>>
      tpu.enqueue_dma source(%arg8 : memref<128x128xf32, #tpu.memory_space<vmem>>) target(%dma_start3A_115 : memref<128x128xf32, #tpu.memory_space<vmem_shared>>) target_semaphore(%run_scoped3A_111 : memref<!tpu.dma_semaphore, #tpu.memory_space<semaphore_mem>>)
      %dma_wait3A_116 = arith.constant 0 : i32
      %dma_wait3A_117 = tpu.memref_slice %arg10[%add3A_20, %dma_wait3A_116] : memref<10240x128xf32, #tpu.memory_space<vmem_shared>> -> memref<128x128xf32, #tpu.memory_space<vmem_shared>>
      %dma_wait3A_118 = arith.constant 0 : i32
      %dma_wait3A_119 = tpu.memref_slice %arg10[%add3A_20, %dma_wait3A_118] : memref<10240x128xf32, #tpu.memory_space<vmem_shared>> -> memref<128x128xf32, #tpu.memory_space<vmem_shared>>
      tpu.wait_dma2 semaphore(%run_scoped3A_111 : memref<!tpu.dma_semaphore, #tpu.memory_space<semaphore_mem>>) src(%arg8 : memref<128x128xf32, #tpu.memory_space<vmem>>) dst(%dma_wait3A_119 : memref<128x128xf32, #tpu.memory_space<vmem_shared>>)
      tpu.yield
    }) : () -> ()
    %mul3A_21 = arith.constant 640 : i32
    %mul3A_22 = arith.muli %arg1, %mul3A_21 : i32
    %add3A_23 = arith.constant 384 : i32
    %add3A_24 = arith.addi %mul3A_22, %add3A_23 : i32
    "tpu.region"() ({
      %run_scoped3A_111 = tpu.sem_alloc : memref<!tpu.dma_semaphore, #tpu.memory_space<semaphore_mem>>
      %dma_start3A_112 = arith.constant 0 : i32
      %dma_start3A_113 = tpu.memref_slice %arg10[%add3A_24, %dma_start3A_112] : memref<10240x128xf32, #tpu.memory_space<vmem_shared>> -> memref<128x128xf32, #tpu.memory_space<vmem_shared>>
      %dma_start3A_114 = arith.constant 0 : i32
      %dma_start3A_115 = tpu.memref_slice %arg10[%add3A_24, %dma_start3A_114] : memref<10240x128xf32, #tpu.memory_space<vmem_shared>> -> memref<128x128xf32, #tpu.memory_space<vmem_shared>>
      tpu.enqueue_dma source(%arg8 : memref<128x128xf32, #tpu.memory_space<vmem>>) target(%dma_start3A_115 : memref<128x128xf32, #tpu.memory_space<vmem_shared>>) target_semaphore(%run_scoped3A_111 : memref<!tpu.dma_semaphore, #tpu.memory_space<semaphore_mem>>)
      %dma_wait3A_116 = arith.constant 0 : i32
      %dma_wait3A_117 = tpu.memref_slice %arg10[%add3A_24, %dma_wait3A_116] : memref<10240x128xf32, #tpu.memory_space<vmem_shared>> -> memref<128x128xf32, #tpu.memory_space<vmem_shared>>
      %dma_wait3A_118 = arith.constant 0 : i32
      %dma_wait3A_119 = tpu.memref_slice %arg10[%add3A_24, %dma_wait3A_118] : memref<10240x128xf32, #tpu.memory_space<vmem_shared>> -> memref<128x128xf32, #tpu.memory_space<vmem_shared>>
      tpu.wait_dma2 semaphore(%run_scoped3A_111 : memref<!tpu.dma_semaphore, #tpu.memory_space<semaphore_mem>>) src(%arg8 : memref<128x128xf32, #tpu.memory_space<vmem>>) dst(%dma_wait3A_119 : memref<128x128xf32, #tpu.memory_space<vmem_shared>>)
      tpu.yield
    }) : () -> ()
    %mul3A_25 = arith.constant 640 : i32
    %mul3A_26 = arith.muli %arg1, %mul3A_25 : i32
    %add3A_27 = arith.constant 512 : i32
    %add3A_28 = arith.addi %mul3A_26, %add3A_27 : i32
    "tpu.region"() ({
      %run_scoped3A_111 = tpu.sem_alloc : memref<!tpu.dma_semaphore, #tpu.memory_space<semaphore_mem>>
      %dma_start3A_112 = arith.constant 0 : i32
      %dma_start3A_113 = tpu.memref_slice %arg10[%add3A_28, %dma_start3A_112] : memref<10240x128xf32, #tpu.memory_space<vmem_shared>> -> memref<128x128xf32, #tpu.memory_space<vmem_shared>>
      %dma_start3A_114 = arith.constant 0 : i32
      %dma_start3A_115 = tpu.memref_slice %arg10[%add3A_28, %dma_start3A_114] : memref<10240x128xf32, #tpu.memory_space<vmem_shared>> -> memref<128x128xf32, #tpu.memory_space<vmem_shared>>
      tpu.enqueue_dma source(%arg8 : memref<128x128xf32, #tpu.memory_space<vmem>>) target(%dma_start3A_115 : memref<128x128xf32, #tpu.memory_space<vmem_shared>>) target_semaphore(%run_scoped3A_111 : memref<!tpu.dma_semaphore, #tpu.memory_space<semaphore_mem>>)
      %dma_wait3A_116 = arith.constant 0 : i32
      %dma_wait3A_117 = tpu.memref_slice %arg10[%add3A_28, %dma_wait3A_116] : memref<10240x128xf32, #tpu.memory_space<vmem_shared>> -> memref<128x128xf32, #tpu.memory_space<vmem_shared>>
      %dma_wait3A_118 = arith.constant 0 : i32
      %dma_wait3A_119 = tpu.memref_slice %arg10[%add3A_28, %dma_wait3A_118] : memref<10240x128xf32, #tpu.memory_space<vmem_shared>> -> memref<128x128xf32, #tpu.memory_space<vmem_shared>>
      tpu.wait_dma2 semaphore(%run_scoped3A_111 : memref<!tpu.dma_semaphore, #tpu.memory_space<semaphore_mem>>) src(%arg8 : memref<128x128xf32, #tpu.memory_space<vmem>>) dst(%dma_wait3A_119 : memref<128x128xf32, #tpu.memory_space<vmem_shared>>)
      tpu.yield
    }) : () -> ()
    %barrier3A = arith.constant 0 : index
    tpu.barrier barrier_id(%barrier3A)
    %add3A_29 = arith.constant 0 : i32
    %add3A_30 = arith.addi %mul3A_3, %add3A_29 : i32
    %dma_start3A = arith.constant 0 : i32
    %dma_start3A_31 = arith.constant 0 : i32
    %dma_start3A_32 = tpu.memref_slice %arg7[%dma_start3A, %dma_start3A_31] : memref<2x128xi32, #tpu.memory_space<vmem>> -> memref<1x128xi32, #tpu.memory_space<vmem>>
    %dma_start3A_33 = tpu.memref_squeeze %dma_start3A_32 : memref<1x128xi32, #tpu.memory_space<vmem>> -> memref<128xi32, #tpu.memory_space<vmem>>
    %dma_start3A_34 = tpu.memref_slice %arg3[%add3A_30] : memref<335872xi32, #tpu.memory_space<hbm>> -> memref<128xi32, #tpu.memory_space<hbm>>
    %dma_start3A_35 = arith.constant 0 : i32
    %dma_start3A_36 = tpu.memref_slice %arg7[%dma_start3A, %dma_start3A_35] : memref<2x128xi32, #tpu.memory_space<vmem>> -> memref<1x128xi32, #tpu.memory_space<vmem>>
    %dma_start3A_37 = tpu.memref_squeeze %dma_start3A_36 : memref<1x128xi32, #tpu.memory_space<vmem>> -> memref<128xi32, #tpu.memory_space<vmem>>
    %dma_start3A_38 = tpu.memref_slice %arg3[%add3A_30] : memref<335872xi32, #tpu.memory_space<hbm>> -> memref<128xi32, #tpu.memory_space<hbm>>
    tpu.enqueue_dma source(%dma_start3A_38 : memref<128xi32, #tpu.memory_space<hbm>>) target(%dma_start3A_37 : memref<128xi32, #tpu.memory_space<vmem>>) target_semaphore(%arg11 : memref<!tpu.dma_semaphore, #tpu.memory_space<semaphore_mem>>)
    %add3A_39 = arith.constant 128 : i32
    %add3A_40 = arith.addi %mul3A_3, %add3A_39 : i32
    %dma_start3A_41 = arith.constant 1 : i32
    %dma_start3A_42 = arith.constant 0 : i32
    %dma_start3A_43 = tpu.memref_slice %arg7[%dma_start3A_41, %dma_start3A_42] : memref<2x128xi32, #tpu.memory_space<vmem>> -> memref<1x128xi32, #tpu.memory_space<vmem>>
    %dma_start3A_44 = tpu.memref_squeeze %dma_start3A_43 : memref<1x128xi32, #tpu.memory_space<vmem>> -> memref<128xi32, #tpu.memory_space<vmem>>
    %dma_start3A_45 = tpu.memref_slice %arg3[%add3A_40] : memref<335872xi32, #tpu.memory_space<hbm>> -> memref<128xi32, #tpu.memory_space<hbm>>
    %dma_start3A_46 = arith.constant 0 : i32
    %dma_start3A_47 = tpu.memref_slice %arg7[%dma_start3A_41, %dma_start3A_46] : memref<2x128xi32, #tpu.memory_space<vmem>> -> memref<1x128xi32, #tpu.memory_space<vmem>>
    %dma_start3A_48 = tpu.memref_squeeze %dma_start3A_47 : memref<1x128xi32, #tpu.memory_space<vmem>> -> memref<128xi32, #tpu.memory_space<vmem>>
    %dma_start3A_49 = tpu.memref_slice %arg3[%add3A_40] : memref<335872xi32, #tpu.memory_space<hbm>> -> memref<128xi32, #tpu.memory_space<hbm>>
    tpu.enqueue_dma source(%dma_start3A_49 : memref<128xi32, #tpu.memory_space<hbm>>) target(%dma_start3A_48 : memref<128xi32, #tpu.memory_space<vmem>>) target_semaphore(%arg12 : memref<!tpu.dma_semaphore, #tpu.memory_space<semaphore_mem>>)
    %add3A_50 = arith.constant 0 : i32
    %add3A_51 = arith.addi %mul3A_3, %add3A_50 : i32
    %dma_wait3A = arith.constant 0 : i32
    %dma_wait3A_52 = arith.constant 0 : i32
    %dma_wait3A_53 = tpu.memref_slice %arg7[%dma_wait3A, %dma_wait3A_52] : memref<2x128xi32, #tpu.memory_space<vmem>> -> memref<1x128xi32, #tpu.memory_space<vmem>>
    %dma_wait3A_54 = tpu.memref_squeeze %dma_wait3A_53 : memref<1x128xi32, #tpu.memory_space<vmem>> -> memref<128xi32, #tpu.memory_space<vmem>>
    %dma_wait3A_55 = tpu.memref_slice %arg3[%add3A_51] : memref<335872xi32, #tpu.memory_space<hbm>> -> memref<128xi32, #tpu.memory_space<hbm>>
    %dma_wait3A_56 = arith.constant 0 : i32
    %dma_wait3A_57 = tpu.memref_slice %arg7[%dma_wait3A, %dma_wait3A_56] : memref<2x128xi32, #tpu.memory_space<vmem>> -> memref<1x128xi32, #tpu.memory_space<vmem>>
    %dma_wait3A_58 = tpu.memref_squeeze %dma_wait3A_57 : memref<1x128xi32, #tpu.memory_space<vmem>> -> memref<128xi32, #tpu.memory_space<vmem>>
    %dma_wait3A_59 = tpu.memref_slice %arg3[%add3A_51] : memref<335872xi32, #tpu.memory_space<hbm>> -> memref<128xi32, #tpu.memory_space<hbm>>
    tpu.wait_dma2 semaphore(%arg11 : memref<!tpu.dma_semaphore, #tpu.memory_space<semaphore_mem>>) src(%dma_wait3A_59 : memref<128xi32, #tpu.memory_space<hbm>>) dst(%dma_wait3A_58 : memref<128xi32, #tpu.memory_space<vmem>>)
    %dma_start3A_60 = arith.constant 0 : i32
    %dma_start3A_61 = arith.constant 0 : i32
    %dma_start3A_62 = tpu.memref_slice %arg7[%dma_start3A_60, %dma_start3A_61] : memref<2x128xi32, #tpu.memory_space<vmem>> -> memref<1x128xi32, #tpu.memory_space<vmem>>
    %dma_start3A_63 = tpu.memref_squeeze %dma_start3A_62 : memref<1x128xi32, #tpu.memory_space<vmem>> -> memref<128xi32, #tpu.memory_space<vmem>>
    %dma_start3A_64 = arith.constant 0 : i32
    %dma_start3A_65 = arith.constant 0 : i32
    %dma_start3A_66 = tpu.memref_slice %arg2[%dma_start3A_64, %dma_start3A_65] : memref<10000x128xf32, #tpu.memory_space<hbm>> -> memref<10000x128xf32, #tpu.memory_space<hbm>>
    tpu.enqueue_indirect_dma source(%dma_start3A_66 : memref<10000x128xf32, #tpu.memory_space<hbm>>) target(%arg8 : memref<128x128xf32, #tpu.memory_space<vmem>>) offsets(%dma_start3A_63 : memref<128xi32, #tpu.memory_space<vmem>>) semaphore(%arg13 : memref<!tpu.dma_semaphore, #tpu.memory_space<semaphore_mem>>)
    %add3A_67 = arith.constant 128 : i32
    %add3A_68 = arith.addi %mul3A_3, %add3A_67 : i32
    %dma_wait3A_69 = arith.constant 1 : i32
    %dma_wait3A_70 = arith.constant 0 : i32
    %dma_wait3A_71 = tpu.memref_slice %arg7[%dma_wait3A_69, %dma_wait3A_70] : memref<2x128xi32, #tpu.memory_space<vmem>> -> memref<1x128xi32, #tpu.memory_space<vmem>>
    %dma_wait3A_72 = tpu.memref_squeeze %dma_wait3A_71 : memref<1x128xi32, #tpu.memory_space<vmem>> -> memref<128xi32, #tpu.memory_space<vmem>>
    %dma_wait3A_73 = tpu.memref_slice %arg3[%add3A_68] : memref<335872xi32, #tpu.memory_space<hbm>> -> memref<128xi32, #tpu.memory_space<hbm>>
    %dma_wait3A_74 = arith.constant 0 : i32
    %dma_wait3A_75 = tpu.memref_slice %arg7[%dma_wait3A_69, %dma_wait3A_74] : memref<2x128xi32, #tpu.memory_space<vmem>> -> memref<1x128xi32, #tpu.memory_space<vmem>>
    %dma_wait3A_76 = tpu.memref_squeeze %dma_wait3A_75 : memref<1x128xi32, #tpu.memory_space<vmem>> -> memref<128xi32, #tpu.memory_space<vmem>>
    %dma_wait3A_77 = tpu.memref_slice %arg3[%add3A_68] : memref<335872xi32, #tpu.memory_space<hbm>> -> memref<128xi32, #tpu.memory_space<hbm>>
    tpu.wait_dma2 semaphore(%arg12 : memref<!tpu.dma_semaphore, #tpu.memory_space<semaphore_mem>>) src(%dma_wait3A_77 : memref<128xi32, #tpu.memory_space<hbm>>) dst(%dma_wait3A_76 : memref<128xi32, #tpu.memory_space<vmem>>)
    %dma_start3A_78 = arith.constant 1 : i32
    %dma_start3A_79 = arith.constant 0 : i32
    %dma_start3A_80 = tpu.memref_slice %arg7[%dma_start3A_78, %dma_start3A_79] : memref<2x128xi32, #tpu.memory_space<vmem>> -> memref<1x128xi32, #tpu.memory_space<vmem>>
    %dma_start3A_81 = tpu.memref_squeeze %dma_start3A_80 : memref<1x128xi32, #tpu.memory_space<vmem>> -> memref<128xi32, #tpu.memory_space<vmem>>
    %dma_start3A_82 = arith.constant 0 : i32
    %dma_start3A_83 = arith.constant 0 : i32
    %dma_start3A_84 = tpu.memref_slice %arg2[%dma_start3A_82, %dma_start3A_83] : memref<10000x128xf32, #tpu.memory_space<hbm>> -> memref<10000x128xf32, #tpu.memory_space<hbm>>
    tpu.enqueue_indirect_dma source(%dma_start3A_84 : memref<10000x128xf32, #tpu.memory_space<hbm>>) target(%arg9 : memref<128x128xf32, #tpu.memory_space<vmem>>) offsets(%dma_start3A_81 : memref<128xi32, #tpu.memory_space<vmem>>) semaphore(%arg14 : memref<!tpu.dma_semaphore, #tpu.memory_space<semaphore_mem>>)
    %scan3A_85 = arith.constant 0 : i32
    %scan3A_86 = arith.constant 0 : i32
    %scan3A_87 = arith.constant 40 : i32
    %scan3A_88 = arith.addi %scan3A_86, %scan3A_87 : i32
    %scan3A_89 = arith.constant 1 : i32
    scf.for %scan3A_111 = %scan3A_86 to %scan3A_88 step %scan3A_89  : i32 {
      %mul3A_112 = arith.constant 2 : i32
      %mul3A_113 = arith.muli %mul3A_112, %scan3A_111 : i32
      %add3A_114 = arith.constant 1 : i32
      %add3A_115 = arith.addi %mul3A_113, %add3A_114 : i32
      %dma_wait3A_116 = arith.constant 0 : i32
      %dma_wait3A_117 = arith.constant 0 : i32
      %dma_wait3A_118 = tpu.memref_slice %arg7[%dma_wait3A_116, %dma_wait3A_117] : memref<2x128xi32, #tpu.memory_space<vmem>> -> memref<1x128xi32, #tpu.memory_space<vmem>>
      %dma_wait3A_119 = tpu.memref_squeeze %dma_wait3A_118 : memref<1x128xi32, #tpu.memory_space<vmem>> -> memref<128xi32, #tpu.memory_space<vmem>>
      %dma_wait3A_120 = arith.constant 0 : i32
      %dma_wait3A_121 = arith.constant 0 : i32
      %dma_wait3A_122 = tpu.memref_slice %arg2[%dma_wait3A_120, %dma_wait3A_121] : memref<10000x128xf32, #tpu.memory_space<hbm>> -> memref<10000x128xf32, #tpu.memory_space<hbm>>
      tpu.wait_indirect_dma semaphore(%arg13 : memref<!tpu.dma_semaphore, #tpu.memory_space<semaphore_mem>>) src(%dma_wait3A_122 : memref<10000x128xf32, #tpu.memory_space<hbm>>) dst(%arg8 : memref<128x128xf32, #tpu.memory_space<vmem>>)
      %add3A_123 = arith.constant 2 : i32
      %add3A_124 = arith.addi %mul3A_113, %add3A_123 : i32
      %mul3A_125 = arith.constant 128 : i32
      %mul3A_126 = arith.muli %add3A_124, %mul3A_125 : i32
      %add3A_127 = arith.addi %mul3A_3, %mul3A_126 : i32
      %dma_start3A_128 = arith.constant 0 : i32
      %dma_start3A_129 = arith.constant 0 : i32
      %dma_start3A_130 = tpu.memref_slice %arg7[%dma_start3A_128, %dma_start3A_129] : memref<2x128xi32, #tpu.memory_space<vmem>> -> memref<1x128xi32, #tpu.memory_space<vmem>>
      %dma_start3A_131 = tpu.memref_squeeze %dma_start3A_130 : memref<1x128xi32, #tpu.memory_space<vmem>> -> memref<128xi32, #tpu.memory_space<vmem>>
      %dma_start3A_132 = tpu.memref_slice %arg3[%add3A_127] : memref<335872xi32, #tpu.memory_space<hbm>> -> memref<128xi32, #tpu.memory_space<hbm>>
      %dma_start3A_133 = arith.constant 0 : i32
      %dma_start3A_134 = tpu.memref_slice %arg7[%dma_start3A_128, %dma_start3A_133] : memref<2x128xi32, #tpu.memory_space<vmem>> -> memref<1x128xi32, #tpu.memory_space<vmem>>
      %dma_start3A_135 = tpu.memref_squeeze %dma_start3A_134 : memref<1x128xi32, #tpu.memory_space<vmem>> -> memref<128xi32, #tpu.memory_space<vmem>>
      %dma_start3A_136 = tpu.memref_slice %arg3[%add3A_127] : memref<335872xi32, #tpu.memory_space<hbm>> -> memref<128xi32, #tpu.memory_space<hbm>>
      tpu.enqueue_dma source(%dma_start3A_136 : memref<128xi32, #tpu.memory_space<hbm>>) target(%dma_start3A_135 : memref<128xi32, #tpu.memory_space<vmem>>) target_semaphore(%arg11 : memref<!tpu.dma_semaphore, #tpu.memory_space<semaphore_mem>>)
      "tpu.region"() ({
        %run_scoped3A_200 = tpu.sem_alloc : memref<!tpu.dma_semaphore, #tpu.memory_space<semaphore_mem>>
        %dma_start3A_201 = arith.constant 0 : i32
        %dma_start3A_202 = tpu.memref_slice %arg6[%mul3A_113, %dma_start3A_201] : memref<82x128xi32, #tpu.memory_space<vmem>> -> memref<1x128xi32, #tpu.memory_space<vmem>>
        %dma_start3A_203 = tpu.memref_squeeze %dma_start3A_202 : memref<1x128xi32, #tpu.memory_space<vmem>> -> memref<128xi32, #tpu.memory_space<vmem>>
        %dma_start3A_204 = arith.constant 0 : i32
        %dma_start3A_205 = arith.constant 0 : i32
        %dma_start3A_206 = tpu.memref_slice %arg10[%dma_start3A_204, %dma_start3A_205] : memref<10240x128xf32, #tpu.memory_space<vmem_shared>> -> memref<10240x128xf32, #tpu.memory_space<vmem_shared>>
        tpu.enqueue_indirect_dma source(%arg8 : memref<128x128xf32, #tpu.memory_space<vmem>>) target(%dma_start3A_206 : memref<10240x128xf32, #tpu.memory_space<vmem_shared>>) offsets(%dma_start3A_203 : memref<128xi32, #tpu.memory_space<vmem>>) semaphore(%run_scoped3A_200 : memref<!tpu.dma_semaphore, #tpu.memory_space<semaphore_mem>>) {add = true}
        %dma_wait3A_207 = arith.constant 0 : i32
        %dma_wait3A_208 = tpu.memref_slice %arg6[%mul3A_113, %dma_wait3A_207] : memref<82x128xi32, #tpu.memory_space<vmem>> -> memref<1x128xi32, #tpu.memory_space<vmem>>
        %dma_wait3A_209 = tpu.memref_squeeze %dma_wait3A_208 : memref<1x128xi32, #tpu.memory_space<vmem>> -> memref<128xi32, #tpu.memory_space<vmem>>
        %dma_wait3A_210 = arith.constant 0 : i32
        %dma_wait3A_211 = arith.constant 0 : i32
        %dma_wait3A_212 = tpu.memref_slice %arg10[%dma_wait3A_210, %dma_wait3A_211] : memref<10240x128xf32, #tpu.memory_space<vmem_shared>> -> memref<10240x128xf32, #tpu.memory_space<vmem_shared>>
        tpu.wait_indirect_dma semaphore(%run_scoped3A_200 : memref<!tpu.dma_semaphore, #tpu.memory_space<semaphore_mem>>) src(%arg8 : memref<128x128xf32, #tpu.memory_space<vmem>>) dst(%dma_wait3A_212 : memref<10240x128xf32, #tpu.memory_space<vmem_shared>>)
        tpu.yield
      }) : () -> ()
      %add3A_137 = arith.constant 2 : i32
      %add3A_138 = arith.addi %mul3A_113, %add3A_137 : i32
      %mul3A_139 = arith.constant 128 : i32
      %mul3A_140 = arith.muli %add3A_138, %mul3A_139 : i32
      %add3A_141 = arith.addi %mul3A_3, %mul3A_140 : i32
      %dma_wait3A_142 = arith.constant 0 : i32
      %dma_wait3A_143 = arith.constant 0 : i32
      %dma_wait3A_144 = tpu.memref_slice %arg7[%dma_wait3A_142, %dma_wait3A_143] : memref<2x128xi32, #tpu.memory_space<vmem>> -> memref<1x128xi32, #tpu.memory_space<vmem>>
      %dma_wait3A_145 = tpu.memref_squeeze %dma_wait3A_144 : memref<1x128xi32, #tpu.memory_space<vmem>> -> memref<128xi32, #tpu.memory_space<vmem>>
      %dma_wait3A_146 = tpu.memref_slice %arg3[%add3A_141] : memref<335872xi32, #tpu.memory_space<hbm>> -> memref<128xi32, #tpu.memory_space<hbm>>
      %dma_wait3A_147 = arith.constant 0 : i32
      %dma_wait3A_148 = tpu.memref_slice %arg7[%dma_wait3A_142, %dma_wait3A_147] : memref<2x128xi32, #tpu.memory_space<vmem>> -> memref<1x128xi32, #tpu.memory_space<vmem>>
      %dma_wait3A_149 = tpu.memref_squeeze %dma_wait3A_148 : memref<1x128xi32, #tpu.memory_space<vmem>> -> memref<128xi32, #tpu.memory_space<vmem>>
      %dma_wait3A_150 = tpu.memref_slice %arg3[%add3A_141] : memref<335872xi32, #tpu.memory_space<hbm>> -> memref<128xi32, #tpu.memory_space<hbm>>
      tpu.wait_dma2 semaphore(%arg11 : memref<!tpu.dma_semaphore, #tpu.memory_space<semaphore_mem>>) src(%dma_wait3A_150 : memref<128xi32, #tpu.memory_space<hbm>>) dst(%dma_wait3A_149 : memref<128xi32, #tpu.memory_space<vmem>>)
      %dma_start3A_151 = arith.constant 0 : i32
      %dma_start3A_152 = arith.constant 0 : i32
      %dma_start3A_153 = tpu.memref_slice %arg7[%dma_start3A_151, %dma_start3A_152] : memref<2x128xi32, #tpu.memory_space<vmem>> -> memref<1x128xi32, #tpu.memory_space<vmem>>
      %dma_start3A_154 = tpu.memref_squeeze %dma_start3A_153 : memref<1x128xi32, #tpu.memory_space<vmem>> -> memref<128xi32, #tpu.memory_space<vmem>>
      %dma_start3A_155 = arith.constant 0 : i32
      %dma_start3A_156 = arith.constant 0 : i32
      %dma_start3A_157 = tpu.memref_slice %arg2[%dma_start3A_155, %dma_start3A_156] : memref<10000x128xf32, #tpu.memory_space<hbm>> -> memref<10000x128xf32, #tpu.memory_space<hbm>>
      tpu.enqueue_indirect_dma source(%dma_start3A_157 : memref<10000x128xf32, #tpu.memory_space<hbm>>) target(%arg8 : memref<128x128xf32, #tpu.memory_space<vmem>>) offsets(%dma_start3A_154 : memref<128xi32, #tpu.memory_space<vmem>>) semaphore(%arg13 : memref<!tpu.dma_semaphore, #tpu.memory_space<semaphore_mem>>)
      %dma_wait3A_158 = arith.constant 1 : i32
      %dma_wait3A_159 = arith.constant 0 : i32
      %dma_wait3A_160 = tpu.memref_slice %arg7[%dma_wait3A_158, %dma_wait3A_159] : memref<2x128xi32, #tpu.memory_space<vmem>> -> memref<1x128xi32, #tpu.memory_space<vmem>>
      %dma_wait3A_161 = tpu.memref_squeeze %dma_wait3A_160 : memref<1x128xi32, #tpu.memory_space<vmem>> -> memref<128xi32, #tpu.memory_space<vmem>>
      %dma_wait3A_162 = arith.constant 0 : i32
      %dma_wait3A_163 = arith.constant 0 : i32
      %dma_wait3A_164 = tpu.memref_slice %arg2[%dma_wait3A_162, %dma_wait3A_163] : memref<10000x128xf32, #tpu.memory_space<hbm>> -> memref<10000x128xf32, #tpu.memory_space<hbm>>
      tpu.wait_indirect_dma semaphore(%arg14 : memref<!tpu.dma_semaphore, #tpu.memory_space<semaphore_mem>>) src(%dma_wait3A_164 : memref<10000x128xf32, #tpu.memory_space<hbm>>) dst(%arg9 : memref<128x128xf32, #tpu.memory_space<vmem>>)
      %add3A_165 = arith.constant 2 : i32
      %add3A_166 = arith.addi %add3A_115, %add3A_165 : i32
      %mul3A_167 = arith.constant 128 : i32
      %mul3A_168 = arith.muli %add3A_166, %mul3A_167 : i32
      %add3A_169 = arith.addi %mul3A_3, %mul3A_168 : i32
      %dma_start3A_170 = arith.constant 1 : i32
      %dma_start3A_171 = arith.constant 0 : i32
      %dma_start3A_172 = tpu.memref_slice %arg7[%dma_start3A_170, %dma_start3A_171] : memref<2x128xi32, #tpu.memory_space<vmem>> -> memref<1x128xi32, #tpu.memory_space<vmem>>
      %dma_start3A_173 = tpu.memref_squeeze %dma_start3A_172 : memref<1x128xi32, #tpu.memory_space<vmem>> -> memref<128xi32, #tpu.memory_space<vmem>>
      %dma_start3A_174 = tpu.memref_slice %arg3[%add3A_169] : memref<335872xi32, #tpu.memory_space<hbm>> -> memref<128xi32, #tpu.memory_space<hbm>>
      %dma_start3A_175 = arith.constant 0 : i32
      %dma_start3A_176 = tpu.memref_slice %arg7[%dma_start3A_170, %dma_start3A_175] : memref<2x128xi32, #tpu.memory_space<vmem>> -> memref<1x128xi32, #tpu.memory_space<vmem>>
      %dma_start3A_177 = tpu.memref_squeeze %dma_start3A_176 : memref<1x128xi32, #tpu.memory_space<vmem>> -> memref<128xi32, #tpu.memory_space<vmem>>
      %dma_start3A_178 = tpu.memref_slice %arg3[%add3A_169] : memref<335872xi32, #tpu.memory_space<hbm>> -> memref<128xi32, #tpu.memory_space<hbm>>
      tpu.enqueue_dma source(%dma_start3A_178 : memref<128xi32, #tpu.memory_space<hbm>>) target(%dma_start3A_177 : memref<128xi32, #tpu.memory_space<vmem>>) target_semaphore(%arg12 : memref<!tpu.dma_semaphore, #tpu.memory_space<semaphore_mem>>)
      "tpu.region"() ({
        %run_scoped3A_200 = tpu.sem_alloc : memref<!tpu.dma_semaphore, #tpu.memory_space<semaphore_mem>>
        %dma_start3A_201 = arith.constant 0 : i32
        %dma_start3A_202 = tpu.memref_slice %arg6[%add3A_115, %dma_start3A_201] : memref<82x128xi32, #tpu.memory_space<vmem>> -> memref<1x128xi32, #tpu.memory_space<vmem>>
        %dma_start3A_203 = tpu.memref_squeeze %dma_start3A_202 : memref<1x128xi32, #tpu.memory_space<vmem>> -> memref<128xi32, #tpu.memory_space<vmem>>
        %dma_start3A_204 = arith.constant 0 : i32
        %dma_start3A_205 = arith.constant 0 : i32
        %dma_start3A_206 = tpu.memref_slice %arg10[%dma_start3A_204, %dma_start3A_205] : memref<10240x128xf32, #tpu.memory_space<vmem_shared>> -> memref<10240x128xf32, #tpu.memory_space<vmem_shared>>
        tpu.enqueue_indirect_dma source(%arg9 : memref<128x128xf32, #tpu.memory_space<vmem>>) target(%dma_start3A_206 : memref<10240x128xf32, #tpu.memory_space<vmem_shared>>) offsets(%dma_start3A_203 : memref<128xi32, #tpu.memory_space<vmem>>) semaphore(%run_scoped3A_200 : memref<!tpu.dma_semaphore, #tpu.memory_space<semaphore_mem>>) {add = true}
        %dma_wait3A_207 = arith.constant 0 : i32
        %dma_wait3A_208 = tpu.memref_slice %arg6[%add3A_115, %dma_wait3A_207] : memref<82x128xi32, #tpu.memory_space<vmem>> -> memref<1x128xi32, #tpu.memory_space<vmem>>
        %dma_wait3A_209 = tpu.memref_squeeze %dma_wait3A_208 : memref<1x128xi32, #tpu.memory_space<vmem>> -> memref<128xi32, #tpu.memory_space<vmem>>
        %dma_wait3A_210 = arith.constant 0 : i32
        %dma_wait3A_211 = arith.constant 0 : i32
        %dma_wait3A_212 = tpu.memref_slice %arg10[%dma_wait3A_210, %dma_wait3A_211] : memref<10240x128xf32, #tpu.memory_space<vmem_shared>> -> memref<10240x128xf32, #tpu.memory_space<vmem_shared>>
        tpu.wait_indirect_dma semaphore(%run_scoped3A_200 : memref<!tpu.dma_semaphore, #tpu.memory_space<semaphore_mem>>) src(%arg9 : memref<128x128xf32, #tpu.memory_space<vmem>>) dst(%dma_wait3A_212 : memref<10240x128xf32, #tpu.memory_space<vmem_shared>>)
        tpu.yield
      }) : () -> ()
      %add3A_179 = arith.constant 2 : i32
      %add3A_180 = arith.addi %add3A_115, %add3A_179 : i32
      %mul3A_181 = arith.constant 128 : i32
      %mul3A_182 = arith.muli %add3A_180, %mul3A_181 : i32
      %add3A_183 = arith.addi %mul3A_3, %mul3A_182 : i32
      %dma_wait3A_184 = arith.constant 1 : i32
      %dma_wait3A_185 = arith.constant 0 : i32
      %dma_wait3A_186 = tpu.memref_slice %arg7[%dma_wait3A_184, %dma_wait3A_185] : memref<2x128xi32, #tpu.memory_space<vmem>> -> memref<1x128xi32, #tpu.memory_space<vmem>>
      %dma_wait3A_187 = tpu.memref_squeeze %dma_wait3A_186 : memref<1x128xi32, #tpu.memory_space<vmem>> -> memref<128xi32, #tpu.memory_space<vmem>>
      %dma_wait3A_188 = tpu.memref_slice %arg3[%add3A_183] : memref<335872xi32, #tpu.memory_space<hbm>> -> memref<128xi32, #tpu.memory_space<hbm>>
      %dma_wait3A_189 = arith.constant 0 : i32
      %dma_wait3A_190 = tpu.memref_slice %arg7[%dma_wait3A_184, %dma_wait3A_189] : memref<2x128xi32, #tpu.memory_space<vmem>> -> memref<1x128xi32, #tpu.memory_space<vmem>>
      %dma_wait3A_191 = tpu.memref_squeeze %dma_wait3A_190 : memref<1x128xi32, #tpu.memory_space<vmem>> -> memref<128xi32, #tpu.memory_space<vmem>>
      %dma_wait3A_192 = tpu.memref_slice %arg3[%add3A_183] : memref<335872xi32, #tpu.memory_space<hbm>> -> memref<128xi32, #tpu.memory_space<hbm>>
      tpu.wait_dma2 semaphore(%arg12 : memref<!tpu.dma_semaphore, #tpu.memory_space<semaphore_mem>>) src(%dma_wait3A_192 : memref<128xi32, #tpu.memory_space<hbm>>) dst(%dma_wait3A_191 : memref<128xi32, #tpu.memory_space<vmem>>)
      %dma_start3A_193 = arith.constant 1 : i32
      %dma_start3A_194 = arith.constant 0 : i32
      %dma_start3A_195 = tpu.memref_slice %arg7[%dma_start3A_193, %dma_start3A_194] : memref<2x128xi32, #tpu.memory_space<vmem>> -> memref<1x128xi32, #tpu.memory_space<vmem>>
      %dma_start3A_196 = tpu.memref_squeeze %dma_start3A_195 : memref<1x128xi32, #tpu.memory_space<vmem>> -> memref<128xi32, #tpu.memory_space<vmem>>
      %dma_start3A_197 = arith.constant 0 : i32
      %dma_start3A_198 = arith.constant 0 : i32
      %dma_start3A_199 = tpu.memref_slice %arg2[%dma_start3A_197, %dma_start3A_198] : memref<10000x128xf32, #tpu.memory_space<hbm>> -> memref<10000x128xf32, #tpu.memory_space<hbm>>
      tpu.enqueue_indirect_dma source(%dma_start3A_199 : memref<10000x128xf32, #tpu.memory_space<hbm>>) target(%arg9 : memref<128x128xf32, #tpu.memory_space<vmem>>) offsets(%dma_start3A_196 : memref<128xi32, #tpu.memory_space<vmem>>) semaphore(%arg14 : memref<!tpu.dma_semaphore, #tpu.memory_space<semaphore_mem>>)
    }
    %scan3A_90 = arith.constant 40 : i32
    %dma_wait3A_91 = arith.constant 0 : i32
    %dma_wait3A_92 = arith.constant 0 : i32
    %dma_wait3A_93 = tpu.memref_slice %arg7[%dma_wait3A_91, %dma_wait3A_92] : memref<2x128xi32, #tpu.memory_space<vmem>> -> memref<1x128xi32, #tpu.memory_space<vmem>>
    %dma_wait3A_94 = tpu.memref_squeeze %dma_wait3A_93 : memref<1x128xi32, #tpu.memory_space<vmem>> -> memref<128xi32, #tpu.memory_space<vmem>>
    %dma_wait3A_95 = arith.constant 0 : i32
    %dma_wait3A_96 = arith.constant 0 : i32
    %dma_wait3A_97 = tpu.memref_slice %arg2[%dma_wait3A_95, %dma_wait3A_96] : memref<10000x128xf32, #tpu.memory_space<hbm>> -> memref<10000x128xf32, #tpu.memory_space<hbm>>
    tpu.wait_indirect_dma semaphore(%arg13 : memref<!tpu.dma_semaphore, #tpu.memory_space<semaphore_mem>>) src(%dma_wait3A_97 : memref<10000x128xf32, #tpu.memory_space<hbm>>) dst(%arg8 : memref<128x128xf32, #tpu.memory_space<vmem>>)
    %run_scoped3A = arith.constant 80 : i32
    "tpu.region"() ({
      %run_scoped3A_111 = tpu.sem_alloc : memref<!tpu.dma_semaphore, #tpu.memory_space<semaphore_mem>>
      %dma_start3A_112 = arith.constant 0 : i32
      %dma_start3A_113 = tpu.memref_slice %arg6[%run_scoped3A, %dma_start3A_112] : memref<82x128xi32, #tpu.memory_space<vmem>> -> memref<1x128xi32, #tpu.memory_space<vmem>>
      %dma_start3A_114 = tpu.memref_squeeze %dma_start3A_113 : memref<1x128xi32, #tpu.memory_space<vmem>> -> memref<128xi32, #tpu.memory_space<vmem>>
      %dma_start3A_115 = arith.constant 0 : i32
      %dma_start3A_116 = arith.constant 0 : i32
      %dma_start3A_117 = tpu.memref_slice %arg10[%dma_start3A_115, %dma_start3A_116] : memref<10240x128xf32, #tpu.memory_space<vmem_shared>> -> memref<10240x128xf32, #tpu.memory_space<vmem_shared>>
      tpu.enqueue_indirect_dma source(%arg8 : memref<128x128xf32, #tpu.memory_space<vmem>>) target(%dma_start3A_117 : memref<10240x128xf32, #tpu.memory_space<vmem_shared>>) offsets(%dma_start3A_114 : memref<128xi32, #tpu.memory_space<vmem>>) semaphore(%run_scoped3A_111 : memref<!tpu.dma_semaphore, #tpu.memory_space<semaphore_mem>>) {add = true}
      %dma_wait3A_118 = arith.constant 0 : i32
      %dma_wait3A_119 = tpu.memref_slice %arg6[%run_scoped3A, %dma_wait3A_118] : memref<82x128xi32, #tpu.memory_space<vmem>> -> memref<1x128xi32, #tpu.memory_space<vmem>>
      %dma_wait3A_120 = tpu.memref_squeeze %dma_wait3A_119 : memref<1x128xi32, #tpu.memory_space<vmem>> -> memref<128xi32, #tpu.memory_space<vmem>>
      %dma_wait3A_121 = arith.constant 0 : i32
      %dma_wait3A_122 = arith.constant 0 : i32
      %dma_wait3A_123 = tpu.memref_slice %arg10[%dma_wait3A_121, %dma_wait3A_122] : memref<10240x128xf32, #tpu.memory_space<vmem_shared>> -> memref<10240x128xf32, #tpu.memory_space<vmem_shared>>
      tpu.wait_indirect_dma semaphore(%run_scoped3A_111 : memref<!tpu.dma_semaphore, #tpu.memory_space<semaphore_mem>>) src(%arg8 : memref<128x128xf32, #tpu.memory_space<vmem>>) dst(%dma_wait3A_123 : memref<10240x128xf32, #tpu.memory_space<vmem_shared>>)
      tpu.yield
    }) : () -> ()
    %dma_wait3A_98 = arith.constant 1 : i32
    %dma_wait3A_99 = arith.constant 0 : i32
    %dma_wait3A_100 = tpu.memref_slice %arg7[%dma_wait3A_98, %dma_wait3A_99] : memref<2x128xi32, #tpu.memory_space<vmem>> -> memref<1x128xi32, #tpu.memory_space<vmem>>
    %dma_wait3A_101 = tpu.memref_squeeze %dma_wait3A_100 : memref<1x128xi32, #tpu.memory_space<vmem>> -> memref<128xi32, #tpu.memory_space<vmem>>
    %dma_wait3A_102 = arith.constant 0 : i32
    %dma_wait3A_103 = arith.constant 0 : i32
    %dma_wait3A_104 = tpu.memref_slice %arg2[%dma_wait3A_102, %dma_wait3A_103] : memref<10000x128xf32, #tpu.memory_space<hbm>> -> memref<10000x128xf32, #tpu.memory_space<hbm>>
    tpu.wait_indirect_dma semaphore(%arg14 : memref<!tpu.dma_semaphore, #tpu.memory_space<semaphore_mem>>) src(%dma_wait3A_104 : memref<10000x128xf32, #tpu.memory_space<hbm>>) dst(%arg9 : memref<128x128xf32, #tpu.memory_space<vmem>>)
    %run_scoped3A_105 = arith.constant 81 : i32
    "tpu.region"() ({
      %run_scoped3A_111 = tpu.sem_alloc : memref<!tpu.dma_semaphore, #tpu.memory_space<semaphore_mem>>
      %dma_start3A_112 = arith.constant 0 : i32
      %dma_start3A_113 = tpu.memref_slice %arg6[%run_scoped3A_105, %dma_start3A_112] : memref<82x128xi32, #tpu.memory_space<vmem>> -> memref<1x128xi32, #tpu.memory_space<vmem>>
      %dma_start3A_114 = tpu.memref_squeeze %dma_start3A_113 : memref<1x128xi32, #tpu.memory_space<vmem>> -> memref<128xi32, #tpu.memory_space<vmem>>
      %dma_start3A_115 = arith.constant 0 : i32
      %dma_start3A_116 = arith.constant 0 : i32
      %dma_start3A_117 = tpu.memref_slice %arg10[%dma_start3A_115, %dma_start3A_116] : memref<10240x128xf32, #tpu.memory_space<vmem_shared>> -> memref<10240x128xf32, #tpu.memory_space<vmem_shared>>
      tpu.enqueue_indirect_dma source(%arg9 : memref<128x128xf32, #tpu.memory_space<vmem>>) target(%dma_start3A_117 : memref<10240x128xf32, #tpu.memory_space<vmem_shared>>) offsets(%dma_start3A_114 : memref<128xi32, #tpu.memory_space<vmem>>) semaphore(%run_scoped3A_111 : memref<!tpu.dma_semaphore, #tpu.memory_space<semaphore_mem>>) {add = true}
      %dma_wait3A_118 = arith.constant 0 : i32
      %dma_wait3A_119 = tpu.memref_slice %arg6[%run_scoped3A_105, %dma_wait3A_118] : memref<82x128xi32, #tpu.memory_space<vmem>> -> memref<1x128xi32, #tpu.memory_space<vmem>>
      %dma_wait3A_120 = tpu.memref_squeeze %dma_wait3A_119 : memref<1x128xi32, #tpu.memory_space<vmem>> -> memref<128xi32, #tpu.memory_space<vmem>>
      %dma_wait3A_121 = arith.constant 0 : i32
      %dma_wait3A_122 = arith.constant 0 : i32
      %dma_wait3A_123 = tpu.memref_slice %arg10[%dma_wait3A_121, %dma_wait3A_122] : memref<10240x128xf32, #tpu.memory_space<vmem_shared>> -> memref<10240x128xf32, #tpu.memory_space<vmem_shared>>
      tpu.wait_indirect_dma semaphore(%run_scoped3A_111 : memref<!tpu.dma_semaphore, #tpu.memory_space<semaphore_mem>>) src(%arg9 : memref<128x128xf32, #tpu.memory_space<vmem>>) dst(%dma_wait3A_123 : memref<10240x128xf32, #tpu.memory_space<vmem_shared>>)
      tpu.yield
    }) : () -> ()
    %barrier3A_106 = arith.constant 0 : index
    tpu.barrier barrier_id(%barrier3A_106)
    %mul3A_107 = arith.constant 640 : i32
    %mul3A_108 = arith.muli %arg1, %mul3A_107 : i32
    %mul3A_109 = arith.constant 640 : i32
    %mul3A_110 = arith.muli %arg1, %mul3A_109 : i32
    "tpu.region"() ({
      %run_scoped3A_111 = tpu.sem_alloc : memref<!tpu.dma_semaphore, #tpu.memory_space<semaphore_mem>>
      %dma_start3A_112 = arith.constant 0 : i32
      %dma_start3A_113 = tpu.memref_slice %arg5[%arg0, %mul3A_110, %dma_start3A_112] : memref<2x10240x128xf32, #tpu.memory_space<hbm>> -> memref<1x640x128xf32, #tpu.memory_space<hbm>>
      %dma_start3A_114 = tpu.memref_squeeze %dma_start3A_113 : memref<1x640x128xf32, #tpu.memory_space<hbm>> -> memref<640x128xf32, #tpu.memory_space<hbm>>
      %dma_start3A_115 = arith.constant 0 : i32
      %dma_start3A_116 = tpu.memref_slice %arg10[%mul3A_108, %dma_start3A_115] : memref<10240x128xf32, #tpu.memory_space<vmem_shared>> -> memref<640x128xf32, #tpu.memory_space<vmem_shared>>
      tpu.enqueue_dma source(%dma_start3A_116 : memref<640x128xf32, #tpu.memory_space<vmem_shared>>) target(%dma_start3A_114 : memref<640x128xf32, #tpu.memory_space<hbm>>) target_semaphore(%run_scoped3A_111 : memref<!tpu.dma_semaphore, #tpu.memory_space<semaphore_mem>>)
      %dma_wait3A_117 = arith.constant 0 : i32
      %dma_wait3A_118 = tpu.memref_slice %arg5[%arg0, %mul3A_110, %dma_wait3A_117] : memref<2x10240x128xf32, #tpu.memory_space<hbm>> -> memref<1x640x128xf32, #tpu.memory_space<hbm>>
      %dma_wait3A_119 = tpu.memref_squeeze %dma_wait3A_118 : memref<1x640x128xf32, #tpu.memory_space<hbm>> -> memref<640x128xf32, #tpu.memory_space<hbm>>
      %dma_wait3A_120 = arith.constant 0 : i32
      %dma_wait3A_121 = tpu.memref_slice %arg10[%mul3A_108, %dma_wait3A_120] : memref<10240x128xf32, #tpu.memory_space<vmem_shared>> -> memref<640x128xf32, #tpu.memory_space<vmem_shared>>
      tpu.wait_dma2 semaphore(%run_scoped3A_111 : memref<!tpu.dma_semaphore, #tpu.memory_space<semaphore_mem>>) src(%dma_wait3A_121 : memref<640x128xf32, #tpu.memory_space<vmem_shared>>) dst(%dma_wait3A_119 : memref<640x128xf32, #tpu.memory_space<hbm>>)
      tpu.yield
    }) : () -> ()
    return
  }
}

#map = affine_map<(d0, d1) -> (0, 0)>
#map1 = affine_map<(d0, d1) -> (0)>
#map2 = affine_map<(d0, d1) -> (0, 0, 0, 0)>
#map3 = affine_map<(d0, d1) -> (0, 0, 0)>
module attributes {stable_mosaic.version = 14 : i64} {
  func.func @mp_kernel(%arg0: i32, %arg1: i32, %arg2: memref<10000x128xf32, #tpu.memory_space<hbm>>, %arg3: memref<335872xi32, #tpu.memory_space<hbm>>, %arg4: memref<16x2x82x128xi32, #tpu.memory_space<hbm>>, %arg5: memref<2x10240x128xf32, #tpu.memory_space<hbm>>, %arg6: memref<82x128xi32, #tpu.memory_space<vmem>>, %arg7: memref<2x128xi32, #tpu.memory_space<vmem>>, %arg8: memref<128x128xf32, #tpu.memory_space<vmem>>, %arg9: memref<128x128xf32, #tpu.memory_space<vmem>>, %arg10: memref<10240x128xf32, #tpu.memory_space<vmem_shared>>, %arg11: memref<!tpu.dma_semaphore, #tpu.memory_space<semaphore_mem>>, %arg12: memref<!tpu.dma_semaphore, #tpu.memory_space<semaphore_mem>>, %arg13: memref<!tpu.dma_semaphore, #tpu.memory_space<semaphore_mem>>, %arg14: memref<!tpu.dma_semaphore, #tpu.memory_space<semaphore_mem>>) attributes {dimension_semantics = [#tpu.dimension_semantics<core_parallel>, #tpu.dimension_semantics<subcore_parallel>], iteration_bounds = array<i64: 2, 16>, scalar_prefetch = 0 : i64, scratch_operands = 9 : i64, tpu.core_type = #tpu.core_type<sc_vector_subcore>, window_params = [{transform_indices = #map}, {transform_indices = #map1}, {transform_indices = #map2}, {transform_indices = #map3}]} {
    %broadcast_in_dim3A = arith.constant 0.000000e+00 : f32
    %broadcast_in_dim3A_0 = vector.broadcast %broadcast_in_dim3A : f32 to vector<16xf32>
    %mul3A = arith.constant 2 : i32
    %mul3A_1 = arith.muli %arg1, %mul3A : i32
    %add3A = arith.addi %mul3A_1, %arg0 : i32
    %mul3A_2 = arith.constant 10496 : i32
    %mul3A_3 = arith.muli %add3A, %mul3A_2 : i32
    "tpu.region"() ({
      %run_scoped3A_111 = tpu.sem_alloc : memref<!tpu.dma_semaphore, #tpu.memory_space<semaphore_mem>>
      %dma_start3A_112 = arith.constant 0 : i32
      %dma_start3A_113 = arith.constant 0 : i32
      %dma_start3A_114 = tpu.memref_slice %arg4[%arg1, %arg0, %dma_start3A_112, %dma_start3A_113] : memref<16x2x82x128xi32, #tpu.memory_space<hbm>> -> memref<1x1x82x128xi32, #tpu.memory_space<hbm>>
      %dma_start3A_115 = tpu.memref_squeeze %dma_start3A_114 : memref<1x1x82x128xi32, #tpu.memory_space<hbm>> -> memref<82x128xi32, #tpu.memory_space<hbm>>
      %dma_start3A_116 = arith.constant 0 : i32
      %dma_start3A_117 = arith.constant 0 : i32
      %dma_start3A_118 = tpu.memref_slice %arg4[%arg1, %arg0, %dma_start3A_116, %dma_start3A_117] : memref<16x2x82x128xi32, #tpu.memory_space<hbm>> -> memref<1x1x82x128xi32, #tpu.memory_space<hbm>>
      %dma_start3A_119 = tpu.memref_squeeze %dma_start3A_118 : memref<1x1x82x128xi32, #tpu.memory_space<hbm>> -> memref<82x128xi32, #tpu.memory_space<hbm>>
      tpu.enqueue_dma source(%dma_start3A_119 : memref<82x128xi32, #tpu.memory_space<hbm>>) target(%arg6 : memref<82x128xi32, #tpu.memory_space<vmem>>) target_semaphore(%run_scoped3A_111 : memref<!tpu.dma_semaphore, #tpu.memory_space<semaphore_mem>>)
      %dma_wait3A_120 = arith.constant 0 : i32
      %dma_wait3A_121 = arith.constant 0 : i32
      %dma_wait3A_122 = tpu.memref_slice %arg4[%arg1, %arg0, %dma_wait3A_120, %dma_wait3A_121] : memref<16x2x82x128xi32, #tpu.memory_space<hbm>> -> memref<1x1x82x128xi32, #tpu.memory_space<hbm>>
      %dma_wait3A_123 = tpu.memref_squeeze %dma_wait3A_122 : memref<1x1x82x128xi32, #tpu.memory_space<hbm>> -> memref<82x128xi32, #tpu.memory_space<hbm>>
      %dma_wait3A_124 = arith.constant 0 : i32
      %dma_wait3A_125 = arith.constant 0 : i32
      %dma_wait3A_126 = tpu.memref_slice %arg4[%arg1, %arg0, %dma_wait3A_124, %dma_wait3A_125] : memref<16x2x82x128xi32, #tpu.memory_space<hbm>> -> memref<1x1x82x128xi32, #tpu.memory_space<hbm>>
      %dma_wait3A_127 = tpu.memref_squeeze %dma_wait3A_126 : memref<1x1x82x128xi32, #tpu.memory_space<hbm>> -> memref<82x128xi32, #tpu.memory_space<hbm>>
      tpu.wait_dma2 semaphore(%run_scoped3A_111 : memref<!tpu.dma_semaphore, #tpu.memory_space<semaphore_mem>>) src(%dma_wait3A_127 : memref<82x128xi32, #tpu.memory_space<hbm>>) dst(%arg6 : memref<82x128xi32, #tpu.memory_space<vmem>>)
      tpu.yield
    }) : () -> ()
    %scan3A = arith.constant 0 : i32
    %scan3A_4 = arith.constant 0 : i32
    %scan3A_5 = arith.constant 128 : i32
    %scan3A_6 = arith.addi %scan3A_4, %scan3A_5 : i32
    %scan3A_7 = arith.constant 1 : i32
    scf.for %scan3A_111 = %scan3A_4 to %scan3A_6 step %scan3A_7  : i32 {
      %swap3A = arith.index_cast %scan3A_111 : i32 to index
      %swap3A_112 = arith.constant 0 : index
      %swap3A_113 = tpu.vector_load %arg8[%swap3A, %swap3A_112] {strides = array<i32>} : memref<128x128xf32, #tpu.memory_space<vmem>>, vector<1x16xf32>,
      %swap3A_114 = vector.shape_cast %swap3A_113 : vector<1x16xf32> to vector<16xf32>
      %swap3A_115 = vector.shape_cast %broadcast_in_dim3A_0 : vector<16xf32> to vector<1x16xf32>
      tpu.vector_store %arg8[%swap3A, %swap3A_112], %swap3A_115 {strides = array<i32>} : memref<128x128xf32, #tpu.memory_space<vmem>>, vector<1x16xf32>,
      %swap3A_116 = arith.index_cast %scan3A_111 : i32 to index
      %swap3A_117 = arith.constant 16 : index
      %swap3A_118 = tpu.vector_load %arg8[%swap3A_116, %swap3A_117] {strides = array<i32>} : memref<128x128xf32, #tpu.memory_space<vmem>>, vector<1x16xf32>,
      %swap3A_119 = vector.shape_cast %swap3A_118 : vector<1x16xf32> to vector<16xf32>
      %swap3A_120 = vector.shape_cast %broadcast_in_dim3A_0 : vector<16xf32> to vector<1x16xf32>
      tpu.vector_store %arg8[%swap3A_116, %swap3A_117], %swap3A_120 {strides = array<i32>} : memref<128x128xf32, #tpu.memory_space<vmem>>, vector<1x16xf32>,
      %swap3A_121 = arith.index_cast %scan3A_111 : i32 to index
      %swap3A_122 = arith.constant 32 : index
      %swap3A_123 = tpu.vector_load %arg8[%swap3A_121, %swap3A_122] {strides = array<i32>} : memref<128x128xf32, #tpu.memory_space<vmem>>, vector<1x16xf32>,
      %swap3A_124 = vector.shape_cast %swap3A_123 : vector<1x16xf32> to vector<16xf32>
      %swap3A_125 = vector.shape_cast %broadcast_in_dim3A_0 : vector<16xf32> to vector<1x16xf32>
      tpu.vector_store %arg8[%swap3A_121, %swap3A_122], %swap3A_125 {strides = array<i32>} : memref<128x128xf32, #tpu.memory_space<vmem>>, vector<1x16xf32>,
      %swap3A_126 = arith.index_cast %scan3A_111 : i32 to index
      %swap3A_127 = arith.constant 48 : index
      %swap3A_128 = tpu.vector_load %arg8[%swap3A_126, %swap3A_127] {strides = array<i32>} : memref<128x128xf32, #tpu.memory_space<vmem>>, vector<1x16xf32>,
      %swap3A_129 = vector.shape_cast %swap3A_128 : vector<1x16xf32> to vector<16xf32>
      %swap3A_130 = vector.shape_cast %broadcast_in_dim3A_0 : vector<16xf32> to vector<1x16xf32>
      tpu.vector_store %arg8[%swap3A_126, %swap3A_127], %swap3A_130 {strides = array<i32>} : memref<128x128xf32, #tpu.memory_space<vmem>>, vector<1x16xf32>,
      %swap3A_131 = arith.index_cast %scan3A_111 : i32 to index
      %swap3A_132 = arith.constant 64 : index
      %swap3A_133 = tpu.vector_load %arg8[%swap3A_131, %swap3A_132] {strides = array<i32>} : memref<128x128xf32, #tpu.memory_space<vmem>>, vector<1x16xf32>,
      %swap3A_134 = vector.shape_cast %swap3A_133 : vector<1x16xf32> to vector<16xf32>
      %swap3A_135 = vector.shape_cast %broadcast_in_dim3A_0 : vector<16xf32> to vector<1x16xf32>
      tpu.vector_store %arg8[%swap3A_131, %swap3A_132], %swap3A_135 {strides = array<i32>} : memref<128x128xf32, #tpu.memory_space<vmem>>, vector<1x16xf32>,
      %swap3A_136 = arith.index_cast %scan3A_111 : i32 to index
      %swap3A_137 = arith.constant 80 : index
      %swap3A_138 = tpu.vector_load %arg8[%swap3A_136, %swap3A_137] {strides = array<i32>} : memref<128x128xf32, #tpu.memory_space<vmem>>, vector<1x16xf32>,
      %swap3A_139 = vector.shape_cast %swap3A_138 : vector<1x16xf32> to vector<16xf32>
      %swap3A_140 = vector.shape_cast %broadcast_in_dim3A_0 : vector<16xf32> to vector<1x16xf32>
      tpu.vector_store %arg8[%swap3A_136, %swap3A_137], %swap3A_140 {strides = array<i32>} : memref<128x128xf32, #tpu.memory_space<vmem>>, vector<1x16xf32>,
      %swap3A_141 = arith.index_cast %scan3A_111 : i32 to index
      %swap3A_142 = arith.constant 96 : index
      %swap3A_143 = tpu.vector_load %arg8[%swap3A_141, %swap3A_142] {strides = array<i32>} : memref<128x128xf32, #tpu.memory_space<vmem>>, vector<1x16xf32>,
      %swap3A_144 = vector.shape_cast %swap3A_143 : vector<1x16xf32> to vector<16xf32>
      %swap3A_145 = vector.shape_cast %broadcast_in_dim3A_0 : vector<16xf32> to vector<1x16xf32>
      tpu.vector_store %arg8[%swap3A_141, %swap3A_142], %swap3A_145 {strides = array<i32>} : memref<128x128xf32, #tpu.memory_space<vmem>>, vector<1x16xf32>,
      %swap3A_146 = arith.index_cast %scan3A_111 : i32 to index
      %swap3A_147 = arith.constant 112 : index
      %swap3A_148 = tpu.vector_load %arg8[%swap3A_146, %swap3A_147] {strides = array<i32>} : memref<128x128xf32, #tpu.memory_space<vmem>>, vector<1x16xf32>,
      %swap3A_149 = vector.shape_cast %swap3A_148 : vector<1x16xf32> to vector<16xf32>
      %swap3A_150 = vector.shape_cast %broadcast_in_dim3A_0 : vector<16xf32> to vector<1x16xf32>
      tpu.vector_store %arg8[%swap3A_146, %swap3A_147], %swap3A_150 {strides = array<i32>} : memref<128x128xf32, #tpu.memory_space<vmem>>, vector<1x16xf32>,
    }
    %scan3A_8 = arith.constant 128 : i32
    %mul3A_9 = arith.constant 640 : i32
    %mul3A_10 = arith.muli %arg1, %mul3A_9 : i32
    %add3A_11 = arith.constant 0 : i32
    %add3A_12 = arith.addi %mul3A_10, %add3A_11 : i32
    "tpu.region"() ({
      %run_scoped3A_111 = tpu.sem_alloc : memref<!tpu.dma_semaphore, #tpu.memory_space<semaphore_mem>>
      %dma_start3A_112 = arith.constant 0 : i32
      %dma_start3A_113 = tpu.memref_slice %arg10[%add3A_12, %dma_start3A_112] : memref<10240x128xf32, #tpu.memory_space<vmem_shared>> -> memref<128x128xf32, #tpu.memory_space<vmem_shared>>
      %dma_start3A_114 = arith.constant 0 : i32
      %dma_start3A_115 = tpu.memref_slice %arg10[%add3A_12, %dma_start3A_114] : memref<10240x128xf32, #tpu.memory_space<vmem_shared>> -> memref<128x128xf32, #tpu.memory_space<vmem_shared>>
      tpu.enqueue_dma source(%arg8 : memref<128x128xf32, #tpu.memory_space<vmem>>) target(%dma_start3A_115 : memref<128x128xf32, #tpu.memory_space<vmem_shared>>) target_semaphore(%run_scoped3A_111 : memref<!tpu.dma_semaphore, #tpu.memory_space<semaphore_mem>>)
      %dma_wait3A_116 = arith.constant 0 : i32
      %dma_wait3A_117 = tpu.memref_slice %arg10[%add3A_12, %dma_wait3A_116] : memref<10240x128xf32, #tpu.memory_space<vmem_shared>> -> memref<128x128xf32, #tpu.memory_space<vmem_shared>>
      %dma_wait3A_118 = arith.constant 0 : i32
      %dma_wait3A_119 = tpu.memref_slice %arg10[%add3A_12, %dma_wait3A_118] : memref<10240x128xf32, #tpu.memory_space<vmem_shared>> -> memref<128x128xf32, #tpu.memory_space<vmem_shared>>
      tpu.wait_dma2 semaphore(%run_scoped3A_111 : memref<!tpu.dma_semaphore, #tpu.memory_space<semaphore_mem>>) src(%arg8 : memref<128x128xf32, #tpu.memory_space<vmem>>) dst(%dma_wait3A_119 : memref<128x128xf32, #tpu.memory_space<vmem_shared>>)
      tpu.yield
    }) : () -> ()
    %mul3A_13 = arith.constant 640 : i32
    %mul3A_14 = arith.muli %arg1, %mul3A_13 : i32
    %add3A_15 = arith.constant 128 : i32
    %add3A_16 = arith.addi %mul3A_14, %add3A_15 : i32
    "tpu.region"() ({
      %run_scoped3A_111 = tpu.sem_alloc : memref<!tpu.dma_semaphore, #tpu.memory_space<semaphore_mem>>
      %dma_start3A_112 = arith.constant 0 : i32
      %dma_start3A_113 = tpu.memref_slice %arg10[%add3A_16, %dma_start3A_112] : memref<10240x128xf32, #tpu.memory_space<vmem_shared>> -> memref<128x128xf32, #tpu.memory_space<vmem_shared>>
      %dma_start3A_114 = arith.constant 0 : i32
      %dma_start3A_115 = tpu.memref_slice %arg10[%add3A_16, %dma_start3A_114] : memref<10240x128xf32, #tpu.memory_space<vmem_shared>> -> memref<128x128xf32, #tpu.memory_space<vmem_shared>>
      tpu.enqueue_dma source(%arg8 : memref<128x128xf32, #tpu.memory_space<vmem>>) target(%dma_start3A_115 : memref<128x128xf32, #tpu.memory_space<vmem_shared>>) target_semaphore(%run_scoped3A_111 : memref<!tpu.dma_semaphore, #tpu.memory_space<semaphore_mem>>)
      %dma_wait3A_116 = arith.constant 0 : i32
      %dma_wait3A_117 = tpu.memref_slice %arg10[%add3A_16, %dma_wait3A_116] : memref<10240x128xf32, #tpu.memory_space<vmem_shared>> -> memref<128x128xf32, #tpu.memory_space<vmem_shared>>
      %dma_wait3A_118 = arith.constant 0 : i32
      %dma_wait3A_119 = tpu.memref_slice %arg10[%add3A_16, %dma_wait3A_118] : memref<10240x128xf32, #tpu.memory_space<vmem_shared>> -> memref<128x128xf32, #tpu.memory_space<vmem_shared>>
      tpu.wait_dma2 semaphore(%run_scoped3A_111 : memref<!tpu.dma_semaphore, #tpu.memory_space<semaphore_mem>>) src(%arg8 : memref<128x128xf32, #tpu.memory_space<vmem>>) dst(%dma_wait3A_119 : memref<128x128xf32, #tpu.memory_space<vmem_shared>>)
      tpu.yield
    }) : () -> ()
    %mul3A_17 = arith.constant 640 : i32
    %mul3A_18 = arith.muli %arg1, %mul3A_17 : i32
    %add3A_19 = arith.constant 256 : i32
    %add3A_20 = arith.addi %mul3A_18, %add3A_19 : i32
    "tpu.region"() ({
      %run_scoped3A_111 = tpu.sem_alloc : memref<!tpu.dma_semaphore, #tpu.memory_space<semaphore_mem>>
      %dma_start3A_112 = arith.constant 0 : i32
      %dma_start3A_113 = tpu.memref_slice %arg10[%add3A_20, %dma_start3A_112] : memref<10240x128xf32, #tpu.memory_space<vmem_shared>> -> memref<128x128xf32, #tpu.memory_space<vmem_shared>>
      %dma_start3A_114 = arith.constant 0 : i32
      %dma_start3A_115 = tpu.memref_slice %arg10[%add3A_20, %dma_start3A_114] : memref<10240x128xf32, #tpu.memory_space<vmem_shared>> -> memref<128x128xf32, #tpu.memory_space<vmem_shared>>
      tpu.enqueue_dma source(%arg8 : memref<128x128xf32, #tpu.memory_space<vmem>>) target(%dma_start3A_115 : memref<128x128xf32, #tpu.memory_space<vmem_shared>>) target_semaphore(%run_scoped3A_111 : memref<!tpu.dma_semaphore, #tpu.memory_space<semaphore_mem>>)
      %dma_wait3A_116 = arith.constant 0 : i32
      %dma_wait3A_117 = tpu.memref_slice %arg10[%add3A_20, %dma_wait3A_116] : memref<10240x128xf32, #tpu.memory_space<vmem_shared>> -> memref<128x128xf32, #tpu.memory_space<vmem_shared>>
      %dma_wait3A_118 = arith.constant 0 : i32
      %dma_wait3A_119 = tpu.memref_slice %arg10[%add3A_20, %dma_wait3A_118] : memref<10240x128xf32, #tpu.memory_space<vmem_shared>> -> memref<128x128xf32, #tpu.memory_space<vmem_shared>>
      tpu.wait_dma2 semaphore(%run_scoped3A_111 : memref<!tpu.dma_semaphore, #tpu.memory_space<semaphore_mem>>) src(%arg8 : memref<128x128xf32, #tpu.memory_space<vmem>>) dst(%dma_wait3A_119 : memref<128x128xf32, #tpu.memory_space<vmem_shared>>)
      tpu.yield
    }) : () -> ()
    %mul3A_21 = arith.constant 640 : i32
    %mul3A_22 = arith.muli %arg1, %mul3A_21 : i32
    %add3A_23 = arith.constant 384 : i32
    %add3A_24 = arith.addi %mul3A_22, %add3A_23 : i32
    "tpu.region"() ({
      %run_scoped3A_111 = tpu.sem_alloc : memref<!tpu.dma_semaphore, #tpu.memory_space<semaphore_mem>>
      %dma_start3A_112 = arith.constant 0 : i32
      %dma_start3A_113 = tpu.memref_slice %arg10[%add3A_24, %dma_start3A_112] : memref<10240x128xf32, #tpu.memory_space<vmem_shared>> -> memref<128x128xf32, #tpu.memory_space<vmem_shared>>
      %dma_start3A_114 = arith.constant 0 : i32
      %dma_start3A_115 = tpu.memref_slice %arg10[%add3A_24, %dma_start3A_114] : memref<10240x128xf32, #tpu.memory_space<vmem_shared>> -> memref<128x128xf32, #tpu.memory_space<vmem_shared>>
      tpu.enqueue_dma source(%arg8 : memref<128x128xf32, #tpu.memory_space<vmem>>) target(%dma_start3A_115 : memref<128x128xf32, #tpu.memory_space<vmem_shared>>) target_semaphore(%run_scoped3A_111 : memref<!tpu.dma_semaphore, #tpu.memory_space<semaphore_mem>>)
      %dma_wait3A_116 = arith.constant 0 : i32
      %dma_wait3A_117 = tpu.memref_slice %arg10[%add3A_24, %dma_wait3A_116] : memref<10240x128xf32, #tpu.memory_space<vmem_shared>> -> memref<128x128xf32, #tpu.memory_space<vmem_shared>>
      %dma_wait3A_118 = arith.constant 0 : i32
      %dma_wait3A_119 = tpu.memref_slice %arg10[%add3A_24, %dma_wait3A_118] : memref<10240x128xf32, #tpu.memory_space<vmem_shared>> -> memref<128x128xf32, #tpu.memory_space<vmem_shared>>
      tpu.wait_dma2 semaphore(%run_scoped3A_111 : memref<!tpu.dma_semaphore, #tpu.memory_space<semaphore_mem>>) src(%arg8 : memref<128x128xf32, #tpu.memory_space<vmem>>) dst(%dma_wait3A_119 : memref<128x128xf32, #tpu.memory_space<vmem_shared>>)
      tpu.yield
    }) : () -> ()
    %mul3A_25 = arith.constant 640 : i32
    %mul3A_26 = arith.muli %arg1, %mul3A_25 : i32
    %add3A_27 = arith.constant 512 : i32
    %add3A_28 = arith.addi %mul3A_26, %add3A_27 : i32
    "tpu.region"() ({
      %run_scoped3A_111 = tpu.sem_alloc : memref<!tpu.dma_semaphore, #tpu.memory_space<semaphore_mem>>
      %dma_start3A_112 = arith.constant 0 : i32
      %dma_start3A_113 = tpu.memref_slice %arg10[%add3A_28, %dma_start3A_112] : memref<10240x128xf32, #tpu.memory_space<vmem_shared>> -> memref<128x128xf32, #tpu.memory_space<vmem_shared>>
      %dma_start3A_114 = arith.constant 0 : i32
      %dma_start3A_115 = tpu.memref_slice %arg10[%add3A_28, %dma_start3A_114] : memref<10240x128xf32, #tpu.memory_space<vmem_shared>> -> memref<128x128xf32, #tpu.memory_space<vmem_shared>>
      tpu.enqueue_dma source(%arg8 : memref<128x128xf32, #tpu.memory_space<vmem>>) target(%dma_start3A_115 : memref<128x128xf32, #tpu.memory_space<vmem_shared>>) target_semaphore(%run_scoped3A_111 : memref<!tpu.dma_semaphore, #tpu.memory_space<semaphore_mem>>)
      %dma_wait3A_116 = arith.constant 0 : i32
      %dma_wait3A_117 = tpu.memref_slice %arg10[%add3A_28, %dma_wait3A_116] : memref<10240x128xf32, #tpu.memory_space<vmem_shared>> -> memref<128x128xf32, #tpu.memory_space<vmem_shared>>
      %dma_wait3A_118 = arith.constant 0 : i32
      %dma_wait3A_119 = tpu.memref_slice %arg10[%add3A_28, %dma_wait3A_118] : memref<10240x128xf32, #tpu.memory_space<vmem_shared>> -> memref<128x128xf32, #tpu.memory_space<vmem_shared>>
      tpu.wait_dma2 semaphore(%run_scoped3A_111 : memref<!tpu.dma_semaphore, #tpu.memory_space<semaphore_mem>>) src(%arg8 : memref<128x128xf32, #tpu.memory_space<vmem>>) dst(%dma_wait3A_119 : memref<128x128xf32, #tpu.memory_space<vmem_shared>>)
      tpu.yield
    }) : () -> ()
    %barrier3A = arith.constant 0 : index
    tpu.barrier barrier_id(%barrier3A)
    %add3A_29 = arith.constant 0 : i32
    %add3A_30 = arith.addi %mul3A_3, %add3A_29 : i32
    %dma_start3A = arith.constant 0 : i32
    %dma_start3A_31 = arith.constant 0 : i32
    %dma_start3A_32 = tpu.memref_slice %arg7[%dma_start3A, %dma_start3A_31] : memref<2x128xi32, #tpu.memory_space<vmem>> -> memref<1x128xi32, #tpu.memory_space<vmem>>
    %dma_start3A_33 = tpu.memref_squeeze %dma_start3A_32 : memref<1x128xi32, #tpu.memory_space<vmem>> -> memref<128xi32, #tpu.memory_space<vmem>>
    %dma_start3A_34 = tpu.memref_slice %arg3[%add3A_30] : memref<335872xi32, #tpu.memory_space<hbm>> -> memref<128xi32, #tpu.memory_space<hbm>>
    %dma_start3A_35 = arith.constant 0 : i32
    %dma_start3A_36 = tpu.memref_slice %arg7[%dma_start3A, %dma_start3A_35] : memref<2x128xi32, #tpu.memory_space<vmem>> -> memref<1x128xi32, #tpu.memory_space<vmem>>
    %dma_start3A_37 = tpu.memref_squeeze %dma_start3A_36 : memref<1x128xi32, #tpu.memory_space<vmem>> -> memref<128xi32, #tpu.memory_space<vmem>>
    %dma_start3A_38 = tpu.memref_slice %arg3[%add3A_30] : memref<335872xi32, #tpu.memory_space<hbm>> -> memref<128xi32, #tpu.memory_space<hbm>>
    tpu.enqueue_dma source(%dma_start3A_38 : memref<128xi32, #tpu.memory_space<hbm>>) target(%dma_start3A_37 : memref<128xi32, #tpu.memory_space<vmem>>) target_semaphore(%arg11 : memref<!tpu.dma_semaphore, #tpu.memory_space<semaphore_mem>>)
    %add3A_39 = arith.constant 128 : i32
    %add3A_40 = arith.addi %mul3A_3, %add3A_39 : i32
    %dma_start3A_41 = arith.constant 1 : i32
    %dma_start3A_42 = arith.constant 0 : i32
    %dma_start3A_43 = tpu.memref_slice %arg7[%dma_start3A_41, %dma_start3A_42] : memref<2x128xi32, #tpu.memory_space<vmem>> -> memref<1x128xi32, #tpu.memory_space<vmem>>
    %dma_start3A_44 = tpu.memref_squeeze %dma_start3A_43 : memref<1x128xi32, #tpu.memory_space<vmem>> -> memref<128xi32, #tpu.memory_space<vmem>>
    %dma_start3A_45 = tpu.memref_slice %arg3[%add3A_40] : memref<335872xi32, #tpu.memory_space<hbm>> -> memref<128xi32, #tpu.memory_space<hbm>>
    %dma_start3A_46 = arith.constant 0 : i32
    %dma_start3A_47 = tpu.memref_slice %arg7[%dma_start3A_41, %dma_start3A_46] : memref<2x128xi32, #tpu.memory_space<vmem>> -> memref<1x128xi32, #tpu.memory_space<vmem>>
    %dma_start3A_48 = tpu.memref_squeeze %dma_start3A_47 : memref<1x128xi32, #tpu.memory_space<vmem>> -> memref<128xi32, #tpu.memory_space<vmem>>
    %dma_start3A_49 = tpu.memref_slice %arg3[%add3A_40] : memref<335872xi32, #tpu.memory_space<hbm>> -> memref<128xi32, #tpu.memory_space<hbm>>
    tpu.enqueue_dma source(%dma_start3A_49 : memref<128xi32, #tpu.memory_space<hbm>>) target(%dma_start3A_48 : memref<128xi32, #tpu.memory_space<vmem>>) target_semaphore(%arg12 : memref<!tpu.dma_semaphore, #tpu.memory_space<semaphore_mem>>)
    %add3A_50 = arith.constant 0 : i32
    %add3A_51 = arith.addi %mul3A_3, %add3A_50 : i32
    %dma_wait3A = arith.constant 0 : i32
    %dma_wait3A_52 = arith.constant 0 : i32
    %dma_wait3A_53 = tpu.memref_slice %arg7[%dma_wait3A, %dma_wait3A_52] : memref<2x128xi32, #tpu.memory_space<vmem>> -> memref<1x128xi32, #tpu.memory_space<vmem>>
    %dma_wait3A_54 = tpu.memref_squeeze %dma_wait3A_53 : memref<1x128xi32, #tpu.memory_space<vmem>> -> memref<128xi32, #tpu.memory_space<vmem>>
    %dma_wait3A_55 = tpu.memref_slice %arg3[%add3A_51] : memref<335872xi32, #tpu.memory_space<hbm>> -> memref<128xi32, #tpu.memory_space<hbm>>
    %dma_wait3A_56 = arith.constant 0 : i32
    %dma_wait3A_57 = tpu.memref_slice %arg7[%dma_wait3A, %dma_wait3A_56] : memref<2x128xi32, #tpu.memory_space<vmem>> -> memref<1x128xi32, #tpu.memory_space<vmem>>
    %dma_wait3A_58 = tpu.memref_squeeze %dma_wait3A_57 : memref<1x128xi32, #tpu.memory_space<vmem>> -> memref<128xi32, #tpu.memory_space<vmem>>
    %dma_wait3A_59 = tpu.memref_slice %arg3[%add3A_51] : memref<335872xi32, #tpu.memory_space<hbm>> -> memref<128xi32, #tpu.memory_space<hbm>>
    tpu.wait_dma2 semaphore(%arg11 : memref<!tpu.dma_semaphore, #tpu.memory_space<semaphore_mem>>) src(%dma_wait3A_59 : memref<128xi32, #tpu.memory_space<hbm>>) dst(%dma_wait3A_58 : memref<128xi32, #tpu.memory_space<vmem>>)
    %dma_start3A_60 = arith.constant 0 : i32
    %dma_start3A_61 = arith.constant 0 : i32
    %dma_start3A_62 = tpu.memref_slice %arg7[%dma_start3A_60, %dma_start3A_61] : memref<2x128xi32, #tpu.memory_space<vmem>> -> memref<1x128xi32, #tpu.memory_space<vmem>>
    %dma_start3A_63 = tpu.memref_squeeze %dma_start3A_62 : memref<1x128xi32, #tpu.memory_space<vmem>> -> memref<128xi32, #tpu.memory_space<vmem>>
    %dma_start3A_64 = arith.constant 0 : i32
    %dma_start3A_65 = arith.constant 0 : i32
    %dma_start3A_66 = tpu.memref_slice %arg2[%dma_start3A_64, %dma_start3A_65] : memref<10000x128xf32, #tpu.memory_space<hbm>> -> memref<10000x128xf32, #tpu.memory_space<hbm>>
    tpu.enqueue_indirect_dma source(%dma_start3A_66 : memref<10000x128xf32, #tpu.memory_space<hbm>>) target(%arg8 : memref<128x128xf32, #tpu.memory_space<vmem>>) offsets(%dma_start3A_63 : memref<128xi32, #tpu.memory_space<vmem>>) semaphore(%arg13 : memref<!tpu.dma_semaphore, #tpu.memory_space<semaphore_mem>>)
    %add3A_67 = arith.constant 128 : i32
    %add3A_68 = arith.addi %mul3A_3, %add3A_67 : i32
    %dma_wait3A_69 = arith.constant 1 : i32
    %dma_wait3A_70 = arith.constant 0 : i32
    %dma_wait3A_71 = tpu.memref_slice %arg7[%dma_wait3A_69, %dma_wait3A_70] : memref<2x128xi32, #tpu.memory_space<vmem>> -> memref<1x128xi32, #tpu.memory_space<vmem>>
    %dma_wait3A_72 = tpu.memref_squeeze %dma_wait3A_71 : memref<1x128xi32, #tpu.memory_space<vmem>> -> memref<128xi32, #tpu.memory_space<vmem>>
    %dma_wait3A_73 = tpu.memref_slice %arg3[%add3A_68] : memref<335872xi32, #tpu.memory_space<hbm>> -> memref<128xi32, #tpu.memory_space<hbm>>
    %dma_wait3A_74 = arith.constant 0 : i32
    %dma_wait3A_75 = tpu.memref_slice %arg7[%dma_wait3A_69, %dma_wait3A_74] : memref<2x128xi32, #tpu.memory_space<vmem>> -> memref<1x128xi32, #tpu.memory_space<vmem>>
    %dma_wait3A_76 = tpu.memref_squeeze %dma_wait3A_75 : memref<1x128xi32, #tpu.memory_space<vmem>> -> memref<128xi32, #tpu.memory_space<vmem>>
    %dma_wait3A_77 = tpu.memref_slice %arg3[%add3A_68] : memref<335872xi32, #tpu.memory_space<hbm>> -> memref<128xi32, #tpu.memory_space<hbm>>
    tpu.wait_dma2 semaphore(%arg12 : memref<!tpu.dma_semaphore, #tpu.memory_space<semaphore_mem>>) src(%dma_wait3A_77 : memref<128xi32, #tpu.memory_space<hbm>>) dst(%dma_wait3A_76 : memref<128xi32, #tpu.memory_space<vmem>>)
    %dma_start3A_78 = arith.constant 1 : i32
    %dma_start3A_79 = arith.constant 0 : i32
    %dma_start3A_80 = tpu.memref_slice %arg7[%dma_start3A_78, %dma_start3A_79] : memref<2x128xi32, #tpu.memory_space<vmem>> -> memref<1x128xi32, #tpu.memory_space<vmem>>
    %dma_start3A_81 = tpu.memref_squeeze %dma_start3A_80 : memref<1x128xi32, #tpu.memory_space<vmem>> -> memref<128xi32, #tpu.memory_space<vmem>>
    %dma_start3A_82 = arith.constant 0 : i32
    %dma_start3A_83 = arith.constant 0 : i32
    %dma_start3A_84 = tpu.memref_slice %arg2[%dma_start3A_82, %dma_start3A_83] : memref<10000x128xf32, #tpu.memory_space<hbm>> -> memref<10000x128xf32, #tpu.memory_space<hbm>>
    tpu.enqueue_indirect_dma source(%dma_start3A_84 : memref<10000x128xf32, #tpu.memory_space<hbm>>) target(%arg9 : memref<128x128xf32, #tpu.memory_space<vmem>>) offsets(%dma_start3A_81 : memref<128xi32, #tpu.memory_space<vmem>>) semaphore(%arg14 : memref<!tpu.dma_semaphore, #tpu.memory_space<semaphore_mem>>)
    %scan3A_85 = arith.constant 0 : i32
    %scan3A_86 = arith.constant 0 : i32
    %scan3A_87 = arith.constant 40 : i32
    %scan3A_88 = arith.addi %scan3A_86, %scan3A_87 : i32
    %scan3A_89 = arith.constant 1 : i32
    scf.for %scan3A_111 = %scan3A_86 to %scan3A_88 step %scan3A_89  : i32 {
      %mul3A_112 = arith.constant 2 : i32
      %mul3A_113 = arith.muli %mul3A_112, %scan3A_111 : i32
      %add3A_114 = arith.constant 1 : i32
      %add3A_115 = arith.addi %mul3A_113, %add3A_114 : i32
      %dma_wait3A_116 = arith.constant 0 : i32
      %dma_wait3A_117 = arith.constant 0 : i32
      %dma_wait3A_118 = tpu.memref_slice %arg7[%dma_wait3A_116, %dma_wait3A_117] : memref<2x128xi32, #tpu.memory_space<vmem>> -> memref<1x128xi32, #tpu.memory_space<vmem>>
      %dma_wait3A_119 = tpu.memref_squeeze %dma_wait3A_118 : memref<1x128xi32, #tpu.memory_space<vmem>> -> memref<128xi32, #tpu.memory_space<vmem>>
      %dma_wait3A_120 = arith.constant 0 : i32
      %dma_wait3A_121 = arith.constant 0 : i32
      %dma_wait3A_122 = tpu.memref_slice %arg2[%dma_wait3A_120, %dma_wait3A_121] : memref<10000x128xf32, #tpu.memory_space<hbm>> -> memref<10000x128xf32, #tpu.memory_space<hbm>>
      tpu.wait_indirect_dma semaphore(%arg13 : memref<!tpu.dma_semaphore, #tpu.memory_space<semaphore_mem>>) src(%dma_wait3A_122 : memref<10000x128xf32, #tpu.memory_space<hbm>>) dst(%arg8 : memref<128x128xf32, #tpu.memory_space<vmem>>)
      %add3A_123 = arith.constant 2 : i32
      %add3A_124 = arith.addi %mul3A_113, %add3A_123 : i32
      %mul3A_125 = arith.constant 128 : i32
      %mul3A_126 = arith.muli %add3A_124, %mul3A_125 : i32
      %add3A_127 = arith.addi %mul3A_3, %mul3A_126 : i32
      %dma_start3A_128 = arith.constant 0 : i32
      %dma_start3A_129 = arith.constant 0 : i32
      %dma_start3A_130 = tpu.memref_slice %arg7[%dma_start3A_128, %dma_start3A_129] : memref<2x128xi32, #tpu.memory_space<vmem>> -> memref<1x128xi32, #tpu.memory_space<vmem>>
      %dma_start3A_131 = tpu.memref_squeeze %dma_start3A_130 : memref<1x128xi32, #tpu.memory_space<vmem>> -> memref<128xi32, #tpu.memory_space<vmem>>
      %dma_start3A_132 = tpu.memref_slice %arg3[%add3A_127] : memref<335872xi32, #tpu.memory_space<hbm>> -> memref<128xi32, #tpu.memory_space<hbm>>
      %dma_start3A_133 = arith.constant 0 : i32
      %dma_start3A_134 = tpu.memref_slice %arg7[%dma_start3A_128, %dma_start3A_133] : memref<2x128xi32, #tpu.memory_space<vmem>> -> memref<1x128xi32, #tpu.memory_space<vmem>>
      %dma_start3A_135 = tpu.memref_squeeze %dma_start3A_134 : memref<1x128xi32, #tpu.memory_space<vmem>> -> memref<128xi32, #tpu.memory_space<vmem>>
      %dma_start3A_136 = tpu.memref_slice %arg3[%add3A_127] : memref<335872xi32, #tpu.memory_space<hbm>> -> memref<128xi32, #tpu.memory_space<hbm>>
      tpu.enqueue_dma source(%dma_start3A_136 : memref<128xi32, #tpu.memory_space<hbm>>) target(%dma_start3A_135 : memref<128xi32, #tpu.memory_space<vmem>>) target_semaphore(%arg11 : memref<!tpu.dma_semaphore, #tpu.memory_space<semaphore_mem>>)
      "tpu.region"() ({
        %run_scoped3A_200 = tpu.sem_alloc : memref<!tpu.dma_semaphore, #tpu.memory_space<semaphore_mem>>
        %dma_start3A_201 = arith.constant 0 : i32
        %dma_start3A_202 = tpu.memref_slice %arg6[%mul3A_113, %dma_start3A_201] : memref<82x128xi32, #tpu.memory_space<vmem>> -> memref<1x128xi32, #tpu.memory_space<vmem>>
        %dma_start3A_203 = tpu.memref_squeeze %dma_start3A_202 : memref<1x128xi32, #tpu.memory_space<vmem>> -> memref<128xi32, #tpu.memory_space<vmem>>
        %dma_start3A_204 = arith.constant 0 : i32
        %dma_start3A_205 = arith.constant 0 : i32
        %dma_start3A_206 = tpu.memref_slice %arg10[%dma_start3A_204, %dma_start3A_205] : memref<10240x128xf32, #tpu.memory_space<vmem_shared>> -> memref<10240x128xf32, #tpu.memory_space<vmem_shared>>
        tpu.enqueue_indirect_dma source(%arg8 : memref<128x128xf32, #tpu.memory_space<vmem>>) target(%dma_start3A_206 : memref<10240x128xf32, #tpu.memory_space<vmem_shared>>) offsets(%dma_start3A_203 : memref<128xi32, #tpu.memory_space<vmem>>) semaphore(%run_scoped3A_200 : memref<!tpu.dma_semaphore, #tpu.memory_space<semaphore_mem>>) {add = true}
        %dma_wait3A_207 = arith.constant 0 : i32
        %dma_wait3A_208 = tpu.memref_slice %arg6[%mul3A_113, %dma_wait3A_207] : memref<82x128xi32, #tpu.memory_space<vmem>> -> memref<1x128xi32, #tpu.memory_space<vmem>>
        %dma_wait3A_209 = tpu.memref_squeeze %dma_wait3A_208 : memref<1x128xi32, #tpu.memory_space<vmem>> -> memref<128xi32, #tpu.memory_space<vmem>>
        %dma_wait3A_210 = arith.constant 0 : i32
        %dma_wait3A_211 = arith.constant 0 : i32
        %dma_wait3A_212 = tpu.memref_slice %arg10[%dma_wait3A_210, %dma_wait3A_211] : memref<10240x128xf32, #tpu.memory_space<vmem_shared>> -> memref<10240x128xf32, #tpu.memory_space<vmem_shared>>
        tpu.wait_indirect_dma semaphore(%run_scoped3A_200 : memref<!tpu.dma_semaphore, #tpu.memory_space<semaphore_mem>>) src(%arg8 : memref<128x128xf32, #tpu.memory_space<vmem>>) dst(%dma_wait3A_212 : memref<10240x128xf32, #tpu.memory_space<vmem_shared>>)
        tpu.yield
      }) : () -> ()
      %add3A_137 = arith.constant 2 : i32
      %add3A_138 = arith.addi %mul3A_113, %add3A_137 : i32
      %mul3A_139 = arith.constant 128 : i32
      %mul3A_140 = arith.muli %add3A_138, %mul3A_139 : i32
      %add3A_141 = arith.addi %mul3A_3, %mul3A_140 : i32
      %dma_wait3A_142 = arith.constant 0 : i32
      %dma_wait3A_143 = arith.constant 0 : i32
      %dma_wait3A_144 = tpu.memref_slice %arg7[%dma_wait3A_142, %dma_wait3A_143] : memref<2x128xi32, #tpu.memory_space<vmem>> -> memref<1x128xi32, #tpu.memory_space<vmem>>
      %dma_wait3A_145 = tpu.memref_squeeze %dma_wait3A_144 : memref<1x128xi32, #tpu.memory_space<vmem>> -> memref<128xi32, #tpu.memory_space<vmem>>
      %dma_wait3A_146 = tpu.memref_slice %arg3[%add3A_141] : memref<335872xi32, #tpu.memory_space<hbm>> -> memref<128xi32, #tpu.memory_space<hbm>>
      %dma_wait3A_147 = arith.constant 0 : i32
      %dma_wait3A_148 = tpu.memref_slice %arg7[%dma_wait3A_142, %dma_wait3A_147] : memref<2x128xi32, #tpu.memory_space<vmem>> -> memref<1x128xi32, #tpu.memory_space<vmem>>
      %dma_wait3A_149 = tpu.memref_squeeze %dma_wait3A_148 : memref<1x128xi32, #tpu.memory_space<vmem>> -> memref<128xi32, #tpu.memory_space<vmem>>
      %dma_wait3A_150 = tpu.memref_slice %arg3[%add3A_141] : memref<335872xi32, #tpu.memory_space<hbm>> -> memref<128xi32, #tpu.memory_space<hbm>>
      tpu.wait_dma2 semaphore(%arg11 : memref<!tpu.dma_semaphore, #tpu.memory_space<semaphore_mem>>) src(%dma_wait3A_150 : memref<128xi32, #tpu.memory_space<hbm>>) dst(%dma_wait3A_149 : memref<128xi32, #tpu.memory_space<vmem>>)
      %dma_start3A_151 = arith.constant 0 : i32
      %dma_start3A_152 = arith.constant 0 : i32
      %dma_start3A_153 = tpu.memref_slice %arg7[%dma_start3A_151, %dma_start3A_152] : memref<2x128xi32, #tpu.memory_space<vmem>> -> memref<1x128xi32, #tpu.memory_space<vmem>>
      %dma_start3A_154 = tpu.memref_squeeze %dma_start3A_153 : memref<1x128xi32, #tpu.memory_space<vmem>> -> memref<128xi32, #tpu.memory_space<vmem>>
      %dma_start3A_155 = arith.constant 0 : i32
      %dma_start3A_156 = arith.constant 0 : i32
      %dma_start3A_157 = tpu.memref_slice %arg2[%dma_start3A_155, %dma_start3A_156] : memref<10000x128xf32, #tpu.memory_space<hbm>> -> memref<10000x128xf32, #tpu.memory_space<hbm>>
      tpu.enqueue_indirect_dma source(%dma_start3A_157 : memref<10000x128xf32, #tpu.memory_space<hbm>>) target(%arg8 : memref<128x128xf32, #tpu.memory_space<vmem>>) offsets(%dma_start3A_154 : memref<128xi32, #tpu.memory_space<vmem>>) semaphore(%arg13 : memref<!tpu.dma_semaphore, #tpu.memory_space<semaphore_mem>>)
      %dma_wait3A_158 = arith.constant 1 : i32
      %dma_wait3A_159 = arith.constant 0 : i32
      %dma_wait3A_160 = tpu.memref_slice %arg7[%dma_wait3A_158, %dma_wait3A_159] : memref<2x128xi32, #tpu.memory_space<vmem>> -> memref<1x128xi32, #tpu.memory_space<vmem>>
      %dma_wait3A_161 = tpu.memref_squeeze %dma_wait3A_160 : memref<1x128xi32, #tpu.memory_space<vmem>> -> memref<128xi32, #tpu.memory_space<vmem>>
      %dma_wait3A_162 = arith.constant 0 : i32
      %dma_wait3A_163 = arith.constant 0 : i32
      %dma_wait3A_164 = tpu.memref_slice %arg2[%dma_wait3A_162, %dma_wait3A_163] : memref<10000x128xf32, #tpu.memory_space<hbm>> -> memref<10000x128xf32, #tpu.memory_space<hbm>>
      tpu.wait_indirect_dma semaphore(%arg14 : memref<!tpu.dma_semaphore, #tpu.memory_space<semaphore_mem>>) src(%dma_wait3A_164 : memref<10000x128xf32, #tpu.memory_space<hbm>>) dst(%arg9 : memref<128x128xf32, #tpu.memory_space<vmem>>)
      %add3A_165 = arith.constant 2 : i32
      %add3A_166 = arith.addi %add3A_115, %add3A_165 : i32
      %mul3A_167 = arith.constant 128 : i32
      %mul3A_168 = arith.muli %add3A_166, %mul3A_167 : i32
      %add3A_169 = arith.addi %mul3A_3, %mul3A_168 : i32
      %dma_start3A_170 = arith.constant 1 : i32
      %dma_start3A_171 = arith.constant 0 : i32
      %dma_start3A_172 = tpu.memref_slice %arg7[%dma_start3A_170, %dma_start3A_171] : memref<2x128xi32, #tpu.memory_space<vmem>> -> memref<1x128xi32, #tpu.memory_space<vmem>>
      %dma_start3A_173 = tpu.memref_squeeze %dma_start3A_172 : memref<1x128xi32, #tpu.memory_space<vmem>> -> memref<128xi32, #tpu.memory_space<vmem>>
      %dma_start3A_174 = tpu.memref_slice %arg3[%add3A_169] : memref<335872xi32, #tpu.memory_space<hbm>> -> memref<128xi32, #tpu.memory_space<hbm>>
      %dma_start3A_175 = arith.constant 0 : i32
      %dma_start3A_176 = tpu.memref_slice %arg7[%dma_start3A_170, %dma_start3A_175] : memref<2x128xi32, #tpu.memory_space<vmem>> -> memref<1x128xi32, #tpu.memory_space<vmem>>
      %dma_start3A_177 = tpu.memref_squeeze %dma_start3A_176 : memref<1x128xi32, #tpu.memory_space<vmem>> -> memref<128xi32, #tpu.memory_space<vmem>>
      %dma_start3A_178 = tpu.memref_slice %arg3[%add3A_169] : memref<335872xi32, #tpu.memory_space<hbm>> -> memref<128xi32, #tpu.memory_space<hbm>>
      tpu.enqueue_dma source(%dma_start3A_178 : memref<128xi32, #tpu.memory_space<hbm>>) target(%dma_start3A_177 : memref<128xi32, #tpu.memory_space<vmem>>) target_semaphore(%arg12 : memref<!tpu.dma_semaphore, #tpu.memory_space<semaphore_mem>>)
      "tpu.region"() ({
        %run_scoped3A_200 = tpu.sem_alloc : memref<!tpu.dma_semaphore, #tpu.memory_space<semaphore_mem>>
        %dma_start3A_201 = arith.constant 0 : i32
        %dma_start3A_202 = tpu.memref_slice %arg6[%add3A_115, %dma_start3A_201] : memref<82x128xi32, #tpu.memory_space<vmem>> -> memref<1x128xi32, #tpu.memory_space<vmem>>
        %dma_start3A_203 = tpu.memref_squeeze %dma_start3A_202 : memref<1x128xi32, #tpu.memory_space<vmem>> -> memref<128xi32, #tpu.memory_space<vmem>>
        %dma_start3A_204 = arith.constant 0 : i32
        %dma_start3A_205 = arith.constant 0 : i32
        %dma_start3A_206 = tpu.memref_slice %arg10[%dma_start3A_204, %dma_start3A_205] : memref<10240x128xf32, #tpu.memory_space<vmem_shared>> -> memref<10240x128xf32, #tpu.memory_space<vmem_shared>>
        tpu.enqueue_indirect_dma source(%arg9 : memref<128x128xf32, #tpu.memory_space<vmem>>) target(%dma_start3A_206 : memref<10240x128xf32, #tpu.memory_space<vmem_shared>>) offsets(%dma_start3A_203 : memref<128xi32, #tpu.memory_space<vmem>>) semaphore(%run_scoped3A_200 : memref<!tpu.dma_semaphore, #tpu.memory_space<semaphore_mem>>) {add = true}
        %dma_wait3A_207 = arith.constant 0 : i32
        %dma_wait3A_208 = tpu.memref_slice %arg6[%add3A_115, %dma_wait3A_207] : memref<82x128xi32, #tpu.memory_space<vmem>> -> memref<1x128xi32, #tpu.memory_space<vmem>>
        %dma_wait3A_209 = tpu.memref_squeeze %dma_wait3A_208 : memref<1x128xi32, #tpu.memory_space<vmem>> -> memref<128xi32, #tpu.memory_space<vmem>>
        %dma_wait3A_210 = arith.constant 0 : i32
        %dma_wait3A_211 = arith.constant 0 : i32
        %dma_wait3A_212 = tpu.memref_slice %arg10[%dma_wait3A_210, %dma_wait3A_211] : memref<10240x128xf32, #tpu.memory_space<vmem_shared>> -> memref<10240x128xf32, #tpu.memory_space<vmem_shared>>
        tpu.wait_indirect_dma semaphore(%run_scoped3A_200 : memref<!tpu.dma_semaphore, #tpu.memory_space<semaphore_mem>>) src(%arg9 : memref<128x128xf32, #tpu.memory_space<vmem>>) dst(%dma_wait3A_212 : memref<10240x128xf32, #tpu.memory_space<vmem_shared>>)
        tpu.yield
      }) : () -> ()
      %add3A_179 = arith.constant 2 : i32
      %add3A_180 = arith.addi %add3A_115, %add3A_179 : i32
      %mul3A_181 = arith.constant 128 : i32
      %mul3A_182 = arith.muli %add3A_180, %mul3A_181 : i32
      %add3A_183 = arith.addi %mul3A_3, %mul3A_182 : i32
      %dma_wait3A_184 = arith.constant 1 : i32
      %dma_wait3A_185 = arith.constant 0 : i32
      %dma_wait3A_186 = tpu.memref_slice %arg7[%dma_wait3A_184, %dma_wait3A_185] : memref<2x128xi32, #tpu.memory_space<vmem>> -> memref<1x128xi32, #tpu.memory_space<vmem>>
      %dma_wait3A_187 = tpu.memref_squeeze %dma_wait3A_186 : memref<1x128xi32, #tpu.memory_space<vmem>> -> memref<128xi32, #tpu.memory_space<vmem>>
      %dma_wait3A_188 = tpu.memref_slice %arg3[%add3A_183] : memref<335872xi32, #tpu.memory_space<hbm>> -> memref<128xi32, #tpu.memory_space<hbm>>
      %dma_wait3A_189 = arith.constant 0 : i32
      %dma_wait3A_190 = tpu.memref_slice %arg7[%dma_wait3A_184, %dma_wait3A_189] : memref<2x128xi32, #tpu.memory_space<vmem>> -> memref<1x128xi32, #tpu.memory_space<vmem>>
      %dma_wait3A_191 = tpu.memref_squeeze %dma_wait3A_190 : memref<1x128xi32, #tpu.memory_space<vmem>> -> memref<128xi32, #tpu.memory_space<vmem>>
      %dma_wait3A_192 = tpu.memref_slice %arg3[%add3A_183] : memref<335872xi32, #tpu.memory_space<hbm>> -> memref<128xi32, #tpu.memory_space<hbm>>
      tpu.wait_dma2 semaphore(%arg12 : memref<!tpu.dma_semaphore, #tpu.memory_space<semaphore_mem>>) src(%dma_wait3A_192 : memref<128xi32, #tpu.memory_space<hbm>>) dst(%dma_wait3A_191 : memref<128xi32, #tpu.memory_space<vmem>>)
      %dma_start3A_193 = arith.constant 1 : i32
      %dma_start3A_194 = arith.constant 0 : i32
      %dma_start3A_195 = tpu.memref_slice %arg7[%dma_start3A_193, %dma_start3A_194] : memref<2x128xi32, #tpu.memory_space<vmem>> -> memref<1x128xi32, #tpu.memory_space<vmem>>
      %dma_start3A_196 = tpu.memref_squeeze %dma_start3A_195 : memref<1x128xi32, #tpu.memory_space<vmem>> -> memref<128xi32, #tpu.memory_space<vmem>>
      %dma_start3A_197 = arith.constant 0 : i32
      %dma_start3A_198 = arith.constant 0 : i32
      %dma_start3A_199 = tpu.memref_slice %arg2[%dma_start3A_197, %dma_start3A_198] : memref<10000x128xf32, #tpu.memory_space<hbm>> -> memref<10000x128xf32, #tpu.memory_space<hbm>>
      tpu.enqueue_indirect_dma source(%dma_start3A_199 : memref<10000x128xf32, #tpu.memory_space<hbm>>) target(%arg9 : memref<128x128xf32, #tpu.memory_space<vmem>>) offsets(%dma_start3A_196 : memref<128xi32, #tpu.memory_space<vmem>>) semaphore(%arg14 : memref<!tpu.dma_semaphore, #tpu.memory_space<semaphore_mem>>)
    }
    %scan3A_90 = arith.constant 40 : i32
    %dma_wait3A_91 = arith.constant 0 : i32
    %dma_wait3A_92 = arith.constant 0 : i32
    %dma_wait3A_93 = tpu.memref_slice %arg7[%dma_wait3A_91, %dma_wait3A_92] : memref<2x128xi32, #tpu.memory_space<vmem>> -> memref<1x128xi32, #tpu.memory_space<vmem>>
    %dma_wait3A_94 = tpu.memref_squeeze %dma_wait3A_93 : memref<1x128xi32, #tpu.memory_space<vmem>> -> memref<128xi32, #tpu.memory_space<vmem>>
    %dma_wait3A_95 = arith.constant 0 : i32
    %dma_wait3A_96 = arith.constant 0 : i32
    %dma_wait3A_97 = tpu.memref_slice %arg2[%dma_wait3A_95, %dma_wait3A_96] : memref<10000x128xf32, #tpu.memory_space<hbm>> -> memref<10000x128xf32, #tpu.memory_space<hbm>>
    tpu.wait_indirect_dma semaphore(%arg13 : memref<!tpu.dma_semaphore, #tpu.memory_space<semaphore_mem>>) src(%dma_wait3A_97 : memref<10000x128xf32, #tpu.memory_space<hbm>>) dst(%arg8 : memref<128x128xf32, #tpu.memory_space<vmem>>)
    %run_scoped3A = arith.constant 80 : i32
    "tpu.region"() ({
      %run_scoped3A_111 = tpu.sem_alloc : memref<!tpu.dma_semaphore, #tpu.memory_space<semaphore_mem>>
      %dma_start3A_112 = arith.constant 0 : i32
      %dma_start3A_113 = tpu.memref_slice %arg6[%run_scoped3A, %dma_start3A_112] : memref<82x128xi32, #tpu.memory_space<vmem>> -> memref<1x128xi32, #tpu.memory_space<vmem>>
      %dma_start3A_114 = tpu.memref_squeeze %dma_start3A_113 : memref<1x128xi32, #tpu.memory_space<vmem>> -> memref<128xi32, #tpu.memory_space<vmem>>
      %dma_start3A_115 = arith.constant 0 : i32
      %dma_start3A_116 = arith.constant 0 : i32
      %dma_start3A_117 = tpu.memref_slice %arg10[%dma_start3A_115, %dma_start3A_116] : memref<10240x128xf32, #tpu.memory_space<vmem_shared>> -> memref<10240x128xf32, #tpu.memory_space<vmem_shared>>
      tpu.enqueue_indirect_dma source(%arg8 : memref<128x128xf32, #tpu.memory_space<vmem>>) target(%dma_start3A_117 : memref<10240x128xf32, #tpu.memory_space<vmem_shared>>) offsets(%dma_start3A_114 : memref<128xi32, #tpu.memory_space<vmem>>) semaphore(%run_scoped3A_111 : memref<!tpu.dma_semaphore, #tpu.memory_space<semaphore_mem>>) {add = true}
      %dma_wait3A_118 = arith.constant 0 : i32
      %dma_wait3A_119 = tpu.memref_slice %arg6[%run_scoped3A, %dma_wait3A_118] : memref<82x128xi32, #tpu.memory_space<vmem>> -> memref<1x128xi32, #tpu.memory_space<vmem>>
      %dma_wait3A_120 = tpu.memref_squeeze %dma_wait3A_119 : memref<1x128xi32, #tpu.memory_space<vmem>> -> memref<128xi32, #tpu.memory_space<vmem>>
      %dma_wait3A_121 = arith.constant 0 : i32
      %dma_wait3A_122 = arith.constant 0 : i32
      %dma_wait3A_123 = tpu.memref_slice %arg10[%dma_wait3A_121, %dma_wait3A_122] : memref<10240x128xf32, #tpu.memory_space<vmem_shared>> -> memref<10240x128xf32, #tpu.memory_space<vmem_shared>>
      tpu.wait_indirect_dma semaphore(%run_scoped3A_111 : memref<!tpu.dma_semaphore, #tpu.memory_space<semaphore_mem>>) src(%arg8 : memref<128x128xf32, #tpu.memory_space<vmem>>) dst(%dma_wait3A_123 : memref<10240x128xf32, #tpu.memory_space<vmem_shared>>)
      tpu.yield
    }) : () -> ()
    %dma_wait3A_98 = arith.constant 1 : i32
    %dma_wait3A_99 = arith.constant 0 : i32
    %dma_wait3A_100 = tpu.memref_slice %arg7[%dma_wait3A_98, %dma_wait3A_99] : memref<2x128xi32, #tpu.memory_space<vmem>> -> memref<1x128xi32, #tpu.memory_space<vmem>>
    %dma_wait3A_101 = tpu.memref_squeeze %dma_wait3A_100 : memref<1x128xi32, #tpu.memory_space<vmem>> -> memref<128xi32, #tpu.memory_space<vmem>>
    %dma_wait3A_102 = arith.constant 0 : i32
    %dma_wait3A_103 = arith.constant 0 : i32
    %dma_wait3A_104 = tpu.memref_slice %arg2[%dma_wait3A_102, %dma_wait3A_103] : memref<10000x128xf32, #tpu.memory_space<hbm>> -> memref<10000x128xf32, #tpu.memory_space<hbm>>
    tpu.wait_indirect_dma semaphore(%arg14 : memref<!tpu.dma_semaphore, #tpu.memory_space<semaphore_mem>>) src(%dma_wait3A_104 : memref<10000x128xf32, #tpu.memory_space<hbm>>) dst(%arg9 : memref<128x128xf32, #tpu.memory_space<vmem>>)
    %run_scoped3A_105 = arith.constant 81 : i32
    "tpu.region"() ({
      %run_scoped3A_111 = tpu.sem_alloc : memref<!tpu.dma_semaphore, #tpu.memory_space<semaphore_mem>>
      %dma_start3A_112 = arith.constant 0 : i32
      %dma_start3A_113 = tpu.memref_slice %arg6[%run_scoped3A_105, %dma_start3A_112] : memref<82x128xi32, #tpu.memory_space<vmem>> -> memref<1x128xi32, #tpu.memory_space<vmem>>
      %dma_start3A_114 = tpu.memref_squeeze %dma_start3A_113 : memref<1x128xi32, #tpu.memory_space<vmem>> -> memref<128xi32, #tpu.memory_space<vmem>>
      %dma_start3A_115 = arith.constant 0 : i32
      %dma_start3A_116 = arith.constant 0 : i32
      %dma_start3A_117 = tpu.memref_slice %arg10[%dma_start3A_115, %dma_start3A_116] : memref<10240x128xf32, #tpu.memory_space<vmem_shared>> -> memref<10240x128xf32, #tpu.memory_space<vmem_shared>>
      tpu.enqueue_indirect_dma source(%arg9 : memref<128x128xf32, #tpu.memory_space<vmem>>) target(%dma_start3A_117 : memref<10240x128xf32, #tpu.memory_space<vmem_shared>>) offsets(%dma_start3A_114 : memref<128xi32, #tpu.memory_space<vmem>>) semaphore(%run_scoped3A_111 : memref<!tpu.dma_semaphore, #tpu.memory_space<semaphore_mem>>) {add = true}
      %dma_wait3A_118 = arith.constant 0 : i32
      %dma_wait3A_119 = tpu.memref_slice %arg6[%run_scoped3A_105, %dma_wait3A_118] : memref<82x128xi32, #tpu.memory_space<vmem>> -> memref<1x128xi32, #tpu.memory_space<vmem>>
      %dma_wait3A_120 = tpu.memref_squeeze %dma_wait3A_119 : memref<1x128xi32, #tpu.memory_space<vmem>> -> memref<128xi32, #tpu.memory_space<vmem>>
      %dma_wait3A_121 = arith.constant 0 : i32
      %dma_wait3A_122 = arith.constant 0 : i32
      %dma_wait3A_123 = tpu.memref_slice %arg10[%dma_wait3A_121, %dma_wait3A_122] : memref<10240x128xf32, #tpu.memory_space<vmem_shared>> -> memref<10240x128xf32, #tpu.memory_space<vmem_shared>>
      tpu.wait_indirect_dma semaphore(%run_scoped3A_111 : memref<!tpu.dma_semaphore, #tpu.memory_space<semaphore_mem>>) src(%arg9 : memref<128x128xf32, #tpu.memory_space<vmem>>) dst(%dma_wait3A_123 : memref<10240x128xf32, #tpu.memory_space<vmem_shared>>)
      tpu.yield
    }) : () -> ()
    %barrier3A_106 = arith.constant 0 : index
    tpu.barrier barrier_id(%barrier3A_106)
    %mul3A_107 = arith.constant 640 : i32
    %mul3A_108 = arith.muli %arg1, %mul3A_107 : i32
    %mul3A_109 = arith.constant 640 : i32
    %mul3A_110 = arith.muli %arg1, %mul3A_109 : i32
    "tpu.region"() ({
      %run_scoped3A_111 = tpu.sem_alloc : memref<!tpu.dma_semaphore, #tpu.memory_space<semaphore_mem>>
      %dma_start3A_112 = arith.constant 0 : i32
      %dma_start3A_113 = tpu.memref_slice %arg5[%arg0, %mul3A_110, %dma_start3A_112] : memref<2x10240x128xf32, #tpu.memory_space<hbm>> -> memref<1x640x128xf32, #tpu.memory_space<hbm>>
      %dma_start3A_114 = tpu.memref_squeeze %dma_start3A_113 : memref<1x640x128xf32, #tpu.memory_space<hbm>> -> memref<640x128xf32, #tpu.memory_space<hbm>>
      %dma_start3A_115 = arith.constant 0 : i32
      %dma_start3A_116 = tpu.memref_slice %arg10[%mul3A_108, %dma_start3A_115] : memref<10240x128xf32, #tpu.memory_space<vmem_shared>> -> memref<640x128xf32, #tpu.memory_space<vmem_shared>>
      tpu.enqueue_dma source(%dma_start3A_116 : memref<640x128xf32, #tpu.memory_space<vmem_shared>>) target(%dma_start3A_114 : memref<640x128xf32, #tpu.memory_space<hbm>>) target_semaphore(%run_scoped3A_111 : memref<!tpu.dma_semaphore, #tpu.memory_space<semaphore_mem>>)
      %dma_wait3A_117 = arith.constant 0 : i32
      %dma_wait3A_118 = tpu.memref_slice %arg5[%arg0, %mul3A_110, %dma_wait3A_117] : memref<2x10240x128xf32, #tpu.memory_space<hbm>> -> memref<1x640x128xf32, #tpu.memory_space<hbm>>
      %dma_wait3A_119 = tpu.memref_squeeze %dma_wait3A_118 : memref<1x640x128xf32, #tpu.memory_space<hbm>> -> memref<640x128xf32, #tpu.memory_space<hbm>>
      %dma_wait3A_120 = arith.constant 0 : i32
      %dma_wait3A_121 = tpu.memref_slice %arg10[%mul3A_108, %dma_wait3A_120] : memref<10240x128xf32, #tpu.memory_space<vmem_shared>> -> memref<640x128xf32, #tpu.memory_space<vmem_shared>>
      tpu.wait_dma2 semaphore(%run_scoped3A_111 : memref<!tpu.dma_semaphore, #tpu.memory_space<semaphore_mem>>) src(%dma_wait3A_121 : memref<640x128xf32, #tpu.memory_space<vmem_shared>>) dst(%dma_wait3A_119 : memref<640x128xf32, #tpu.memory_space<hbm>>)
      tpu.yield
    }) : () -> ()
    return
  }
}

module attributes {stable_mosaic.version = 14 : i64} {
  func.func @_scale1_body(%arg0: memref<10000x128xf32, #tpu.memory_space<vmem>>, %arg1: memref<128x128xf32, #tpu.memory_space<vmem>>, %arg2: memref<2x10000x1xf32, #tpu.memory_space<vmem>>, %arg3: memref<10000x128xf32, #tpu.memory_space<vmem>>) attributes {dimension_semantics = [], scalar_prefetch = 0 : i64, scratch_operands = 0 : i64, tpu.core_type = #tpu.core_type<tc>} {
    %get3A = arith.constant 0 : index
    %get3A_0 = arith.constant 0 : index
    %get3A_1 = arith.constant 0 : index
    %get3A_2 = vector.load %arg2[%get3A, %get3A_0, %get3A_1] : memref<2x10000x1xf32, #tpu.memory_space<vmem>>, vector<1x10000x1xf32>
    %get3A_3 = vector.shape_cast %get3A_2 : vector<1x10000x1xf32> to vector<10000x1xf32>
    %get3A_4 = arith.constant 1 : index
    %get3A_5 = arith.constant 0 : index
    %get3A_6 = arith.constant 0 : index
    %get3A_7 = vector.load %arg2[%get3A_4, %get3A_5, %get3A_6] : memref<2x10000x1xf32, #tpu.memory_space<vmem>>, vector<1x10000x1xf32>
    %get3A_8 = vector.shape_cast %get3A_7 : vector<1x10000x1xf32> to vector<10000x1xf32>
    %add3A = arith.addf %get3A_3, %get3A_8 : vector<10000x1xf32>
    %max3A = arith.constant 9.99999996E-13 : f32
    %max3A_9 = vector.broadcast %max3A : f32 to vector<10000x1xf32>
    %max3A_10 = arith.maximumf %add3A, %max3A_9 : vector<10000x1xf32>
    %rsqrt3A = math.rsqrt %max3A_10 : vector<10000x1xf32>
    %get3A_11 = arith.constant 0 : index
    %get3A_12 = arith.constant 0 : index
    %get3A_13 = vector.load %arg0[%get3A_11, %get3A_12] : memref<10000x128xf32, #tpu.memory_space<vmem>>, vector<10000x128xf32>
    %get3A_14 = arith.constant 0 : index
    %get3A_15 = arith.constant 0 : index
    %get3A_16 = vector.load %arg1[%get3A_14, %get3A_15] : memref<128x128xf32, #tpu.memory_space<vmem>>, vector<128x128xf32>
    %dot_general3A = arith.constant dense<0.000000e+00> : vector<10000x128xf32>
    %dot_general3A_17 = tpu.matmul %get3A_13, %get3A_16, %dot_general3A {dimension_numbers = #tpu.dot_dimension_numbers<[1], [0], [0], [1], [0, 0, 1, 1], [], []>, transpose_lhs_hint = false} : vector<10000x128xf32>, vector<128x128xf32>, vector<10000x128xf32> -> vector<10000x128xf32>
    %mul3A = vector.broadcast %rsqrt3A : vector<10000x1xf32> to vector<10000x128xf32>
    %mul3A_18 = arith.mulf %dot_general3A_17, %mul3A : vector<10000x128xf32>
    %swap3A = arith.constant 0 : index
    %swap3A_19 = arith.constant 0 : index
    %swap3A_20 = vector.load %arg3[%swap3A, %swap3A_19] : memref<10000x128xf32, #tpu.memory_space<vmem>>, vector<10000x128xf32>
    tpu.vector_store %arg3[%swap3A, %swap3A_19], %mul3A_18 {strides = array<i32>} : memref<10000x128xf32, #tpu.memory_space<vmem>>, vector<10000x128xf32>,
    return
  }
}

module attributes {stable_mosaic.version = 14 : i64} {
  func.func @_layer_mid_body(%arg0: memref<2x10240x128xf32, #tpu.memory_space<vmem>>, %arg1: memref<2x10000x1xf32, #tpu.memory_space<vmem>>, %arg2: memref<1x128xf32, #tpu.memory_space<vmem>>, %arg3: memref<128x128xf32, #tpu.memory_space<vmem>>, %arg4: memref<10000x128xf32, #tpu.memory_space<vmem>>) attributes {dimension_semantics = [], scalar_prefetch = 0 : i64, scratch_operands = 0 : i64, tpu.core_type = #tpu.core_type<tc>} {
    %get3A = arith.constant 0 : index
    %get3A_0 = arith.constant 0 : index
    %get3A_1 = arith.constant 0 : index
    %get3A_2 = vector.load %arg1[%get3A, %get3A_0, %get3A_1] : memref<2x10000x1xf32, #tpu.memory_space<vmem>>, vector<1x10000x1xf32>
    %get3A_3 = vector.shape_cast %get3A_2 : vector<1x10000x1xf32> to vector<10000x1xf32>
    %get3A_4 = arith.constant 1 : index
    %get3A_5 = arith.constant 0 : index
    %get3A_6 = arith.constant 0 : index
    %get3A_7 = vector.load %arg1[%get3A_4, %get3A_5, %get3A_6] : memref<2x10000x1xf32, #tpu.memory_space<vmem>>, vector<1x10000x1xf32>
    %get3A_8 = vector.shape_cast %get3A_7 : vector<1x10000x1xf32> to vector<10000x1xf32>
    %add3A = arith.addf %get3A_3, %get3A_8 : vector<10000x1xf32>
    %max3A = arith.constant 9.99999996E-13 : f32
    %max3A_9 = vector.broadcast %max3A : f32 to vector<10000x1xf32>
    %max3A_10 = arith.maximumf %add3A, %max3A_9 : vector<10000x1xf32>
    %rsqrt3A = math.rsqrt %max3A_10 : vector<10000x1xf32>
    %get3A_11 = arith.constant 0 : index
    %get3A_12 = arith.constant 0 : index
    %get3A_13 = arith.constant 0 : index
    %get3A_14 = vector.load %arg0[%get3A_11, %get3A_12, %get3A_13] : memref<2x10240x128xf32, #tpu.memory_space<vmem>>, vector<1x10000x128xf32>
    %get3A_15 = vector.shape_cast %get3A_14 : vector<1x10000x128xf32> to vector<10000x128xf32>
    %get3A_16 = arith.constant 1 : index
    %get3A_17 = arith.constant 0 : index
    %get3A_18 = arith.constant 0 : index
    %get3A_19 = vector.load %arg0[%get3A_16, %get3A_17, %get3A_18] : memref<2x10240x128xf32, #tpu.memory_space<vmem>>, vector<1x10000x128xf32>
    %get3A_20 = vector.shape_cast %get3A_19 : vector<1x10000x128xf32> to vector<10000x128xf32>
    %add3A_21 = arith.addf %get3A_15, %get3A_20 : vector<10000x128xf32>
    %mul3A = vector.broadcast %rsqrt3A : vector<10000x1xf32> to vector<10000x128xf32>
    %mul3A_22 = arith.mulf %add3A_21, %mul3A : vector<10000x128xf32>
    %get3A_23 = arith.constant 0 : index
    %get3A_24 = arith.constant 0 : index
    %get3A_25 = vector.load %arg2[%get3A_23, %get3A_24] : memref<1x128xf32, #tpu.memory_space<vmem>>, vector<1x128xf32>
    %add3A_26 = vector.broadcast %get3A_25 : vector<1x128xf32> to vector<10000x128xf32>
    %add3A_27 = arith.addf %mul3A_22, %add3A_26 : vector<10000x128xf32>
    %gt3A = arith.constant 0.000000e+00 : f32
    %gt3A_28 = vector.broadcast %gt3A : f32 to vector<10000x128xf32>
    %gt3A_29 = arith.cmpf ogt, %add3A_27, %gt3A_28 : vector<10000x128xf32>
    %mul3A_30 = arith.constant 0.00999999977 : f32
    %mul3A_31 = vector.broadcast %mul3A_30 : f32 to vector<10000x128xf32>
    %mul3A_32 = arith.mulf %mul3A_31, %add3A_27 : vector<10000x128xf32>
    %select_n3A = arith.select %gt3A_29, %add3A_27, %mul3A_32 : vector<10000x128xi1>, vector<10000x128xf32>
    %get3A_33 = arith.constant 0 : index
    %get3A_34 = arith.constant 0 : index
    %get3A_35 = vector.load %arg3[%get3A_33, %get3A_34] : memref<128x128xf32, #tpu.memory_space<vmem>>, vector<128x128xf32>
    %dot_general3A = arith.constant dense<0.000000e+00> : vector<10000x128xf32>
    %dot_general3A_36 = tpu.matmul %select_n3A, %get3A_35, %dot_general3A {dimension_numbers = #tpu.dot_dimension_numbers<[1], [0], [0], [1], [0, 0, 1, 1], [], []>, transpose_lhs_hint = false} : vector<10000x128xf32>, vector<128x128xf32>, vector<10000x128xf32> -> vector<10000x128xf32>
    %mul3A_37 = vector.broadcast %rsqrt3A : vector<10000x1xf32> to vector<10000x128xf32>
    %mul3A_38 = arith.mulf %dot_general3A_36, %mul3A_37 : vector<10000x128xf32>
    %swap3A = arith.constant 0 : index
    %swap3A_39 = arith.constant 0 : index
    %swap3A_40 = vector.load %arg4[%swap3A, %swap3A_39] : memref<10000x128xf32, #tpu.memory_space<vmem>>, vector<10000x128xf32>
    tpu.vector_store %arg4[%swap3A, %swap3A_39], %mul3A_38 {strides = array<i32>} : memref<10000x128xf32, #tpu.memory_space<vmem>>, vector<10000x128xf32>,
    return
  }
}

module attributes {stable_mosaic.version = 14 : i64} {
  func.func @_final_body(%arg0: memref<2x10240x128xf32, #tpu.memory_space<vmem>>, %arg1: memref<2x10000x1xf32, #tpu.memory_space<vmem>>, %arg2: memref<1x128xf32, #tpu.memory_space<vmem>>, %arg3: memref<10000x128xf32, #tpu.memory_space<vmem>>) attributes {dimension_semantics = [], scalar_prefetch = 0 : i64, scratch_operands = 0 : i64, tpu.core_type = #tpu.core_type<tc>} {
    %get3A = arith.constant 0 : index
    %get3A_0 = arith.constant 0 : index
    %get3A_1 = arith.constant 0 : index
    %get3A_2 = vector.load %arg1[%get3A, %get3A_0, %get3A_1] : memref<2x10000x1xf32, #tpu.memory_space<vmem>>, vector<1x10000x1xf32>
    %get3A_3 = vector.shape_cast %get3A_2 : vector<1x10000x1xf32> to vector<10000x1xf32>
    %get3A_4 = arith.constant 1 : index
    %get3A_5 = arith.constant 0 : index
    %get3A_6 = arith.constant 0 : index
    %get3A_7 = vector.load %arg1[%get3A_4, %get3A_5, %get3A_6] : memref<2x10000x1xf32, #tpu.memory_space<vmem>>, vector<1x10000x1xf32>
    %get3A_8 = vector.shape_cast %get3A_7 : vector<1x10000x1xf32> to vector<10000x1xf32>
    %add3A = arith.addf %get3A_3, %get3A_8 : vector<10000x1xf32>
    %max3A = arith.constant 9.99999996E-13 : f32
    %max3A_9 = vector.broadcast %max3A : f32 to vector<10000x1xf32>
    %max3A_10 = arith.maximumf %add3A, %max3A_9 : vector<10000x1xf32>
    %rsqrt3A = math.rsqrt %max3A_10 : vector<10000x1xf32>
    %get3A_11 = arith.constant 0 : index
    %get3A_12 = arith.constant 0 : index
    %get3A_13 = arith.constant 0 : index
    %get3A_14 = vector.load %arg0[%get3A_11, %get3A_12, %get3A_13] : memref<2x10240x128xf32, #tpu.memory_space<vmem>>, vector<1x10000x128xf32>
    %get3A_15 = vector.shape_cast %get3A_14 : vector<1x10000x128xf32> to vector<10000x128xf32>
    %get3A_16 = arith.constant 1 : index
    %get3A_17 = arith.constant 0 : index
    %get3A_18 = arith.constant 0 : index
    %get3A_19 = vector.load %arg0[%get3A_16, %get3A_17, %get3A_18] : memref<2x10240x128xf32, #tpu.memory_space<vmem>>, vector<1x10000x128xf32>
    %get3A_20 = vector.shape_cast %get3A_19 : vector<1x10000x128xf32> to vector<10000x128xf32>
    %add3A_21 = arith.addf %get3A_15, %get3A_20 : vector<10000x128xf32>
    %mul3A = vector.broadcast %rsqrt3A : vector<10000x1xf32> to vector<10000x128xf32>
    %mul3A_22 = arith.mulf %add3A_21, %mul3A : vector<10000x128xf32>
    %get3A_23 = arith.constant 0 : index
    %get3A_24 = arith.constant 0 : index
    %get3A_25 = vector.load %arg2[%get3A_23, %get3A_24] : memref<1x128xf32, #tpu.memory_space<vmem>>, vector<1x128xf32>
    %add3A_26 = vector.broadcast %get3A_25 : vector<1x128xf32> to vector<10000x128xf32>
    %add3A_27 = arith.addf %mul3A_22, %add3A_26 : vector<10000x128xf32>
    %swap3A = arith.constant 0 : index
    %swap3A_28 = arith.constant 0 : index
    %swap3A_29 = vector.load %arg3[%swap3A, %swap3A_28] : memref<10000x128xf32, #tpu.memory_space<vmem>>, vector<10000x128xf32>
    tpu.vector_store %arg3[%swap3A, %swap3A_28], %add3A_27 {strides = array<i32>} : memref<10000x128xf32, #tpu.memory_space<vmem>>, vector<10000x128xf32>,
    return
  }
}

</mosaic_0001>

<sc_bundles>
// kernel: kernel.11.cloned.1.call-start
scs
__scs_entry_jumppad:
0x0: {  	(pc) =	sbr.rel $0x88, $3  }
0x1: {  	(tag) =	ssettag $0x0;
	lr =	simm.s32 $0x1  }
0x2: {  	[smem:$0x3F9B] =	sst lr;
	_ =	strace $0xD0000000  }
0x3: {  	_ = 	snop  }
0x4: {  	_ = 	snop  }
0x5: {  	_ = 	snop  }
0x6: {  	_ = 	snop  }
0x7: {  	_ = 	snop  }
__scs_overlays_trampoline_lowered:
0x8: {  	[smem:$0x3FAA] =	sst s0  }
0x9: {  	[smem:$0x3FAB] =	sst s1  }
0xa: {  	[smem:$0x3FAC] =	sst s2  }
0xb: {  	[smem:$0x3FAD] =	sst s3  }
0xc: {  	[smem:$0x3FAE] =	sst s4  }
0xd: {  	[smem:$0x3FAF] =	sst s5  }
0xe: {  	[smem:$0x3FB0] =	sst s6  }
0xf: {  	[smem:$0x3FB1] =	sst s7  }
0x10: {  	[smem:$0x3FB2] =	sst s8  }
0x11: {  	[smem:$0x3FB3] =	sst s9;
	s0 =	simm.s32 @!p0 $0x0  }
0x12: {  	s1 =	sld [smem:$0x3F99];
	s0 =	simm.s32 @p0 $0x1  }
0x13: {  	[smem:$0x3FB4] =	sst s0;
	s0 =	simm.s32 @!p1 $0x0  }
0x14: {  	s2 =	sld [smem:$0x3F98];
	s0 =	simm.s32 @p1 $0x1  }
0x15: {  	[smem:$0x3FB5] =	sst s0;
	s0 =	simm.s32 @!p2 $0x0  }
0x16: {  	s3 =	sld [smem:$0x3FDB];
	s0 =	simm.s32 @p2 $0x1  }
0x17: {  	s4 =	simm.s32 $0x1BF5;
	[smem:$0x3FB7] =	sst s0  }
0x18: {  	s0 =	sld [smem:$0x3F9A];
	_ =	swait.ge [sflag:s4], $0x0  }
0x19: {  	s7 =	sld [smem:$0x3F9B]  }
0x1a: {  	s8 =	sadd.s32 $0xFFFFE003, lr  }
0x1b: {  	s9 =	sadd.s32 $0xFFFFFEF7, lr;
	s5 =	simm.s32 $0xFFFFFFFF;
	p2 =	slt.u32 s8, $0xFFFFF086  }
0x1c: {  	p1 =	slt.u32 s9, $0xF7A;
	s5 =	simm.s32 @!p2 $0x0  }
0x1d: {  	s5 =	simm.s32 @p1 $0x1;
	p0 =	seq.s32 s7, s2  }
0x1e: {  	s7 =	smul.u32 @!p0 $0xF7A, s2;
	p2 =	seq.s32 @!p0 s5, $0x0  }
0x1f: {  	s9 =	smul.u32 $0xF7A, s1;
	s8 =	simm.s32 @!p0 $0x1BF5;
	p2 =	por !p2, p0  }
0x20: {  	[sflag:s8] =	ssyncset.s32 @!p0 $0xFFFFF086;
	s6 =	sadd.s32 @!p0 s3, s7;
	s7 =	simm.s32 @!p0 $0x108  }
0x21: {  	s3 =	sadd.s32 s3, s9;
	s6 =	sadd.s32 @!p0 $0x88, s6;
	s7 =	simm.s32 @p2 $0x1082  }
0x22: {  	[simem:s7], [sflag:s8] =	dma.local @!p0 [hbm:s6], $0xF7A  }
0x23: {  	s9 =	sor.u32 $0xD0000000, s2;
	s6 =	simm.s32 $0x108;
	_ =	swait.ge @!p0 [sflag:s8], $0x0  }
0x24: {  	s3 =	sadd.s32 $0x88, s3;
	s6 =	simm.s32 @!p1 $0x1082;
	[sflag:s4] =	ssyncset.s32 $0xFFFFF086  }
0x25: {  	[simem:s6], [sflag:s4] =	dma.local [hbm:s3], $0xF7A  }
0x26: {  	[smem:$0x3F9B] =	sst s1;
	(tag) =	ssettag s2;
	_ =	strace s9  }
0x27: {  	s1 =	sld [smem:$0x3FAB]  }
0x28: {  	s2 =	sld [smem:$0x3FAC]  }
0x29: {  	s4 =	sld [smem:$0x3FAE]  }
0x2a: {  	p0 =	seq.s32 s5, $0x0;
	s5 =	sld [smem:$0x3FAF]  }
0x2b: {  	s6 =	sld [smem:$0x3FB0]  }
0x2c: {  	s7 =	sld [smem:$0x3FB1]  }
0x2d: {  	s3 =	simm.s32 $0x108;
	s8 =	sld [smem:$0x3FB2]  }
0x2e: {  	s3 =	simm.s32 @!p0 $0x1082;
	s9 =	sld [smem:$0x3FB3]  }
0x2f: {  	lr =	sadd.s32 s0, s3;
	s0 =	sld [smem:$0x3FAA]  }
0x30: {  	s3 =	sld [smem:$0x3FAD]  }
0x31: {  	[smem:$0x3FB6] =	sst s10  }
0x32: {  	s10 =	sld [smem:$0x3FB4];
	_ =	sdelay $0x3  }
0x33: {  	p0 =	seq.s32 s10, $0x1;
	s10 =	sld [smem:$0x3FB6];
	_ =	sdelay $0x3  }
0x34: {  	[smem:$0x3FB6] =	sst s10  }
0x35: {  	s10 =	sld [smem:$0x3FB5];
	_ =	sdelay $0x3  }
0x36: {  	p1 =	seq.s32 s10, $0x1;
	s10 =	sld [smem:$0x3FB6];
	_ =	sdelay $0x3  }
0x37: {  	[smem:$0x3FB6] =	sst s10  }
0x38: {  	s10 =	sld [smem:$0x3FB7]  }
0x39: {  	_ = 	snop;
	(pc) =	sbr.ind lr, $3  }
0x3a: {  	_ = 	snop  }
0x3b: {  	_ = 	snop  }
0x3c: {  	p2 =	seq.s32 s10, $0x1;
	s10 =	sld [smem:$0x3FB6]  }
0x3d: {  	_ =	shalt  }
0x3e: {  	_ =	shalt  }
0x3f: {  	_ =	shalt  }
0x40: {  	_ =	shalt  }
0x41: {  	_ =	shalt  }
0x42: {  	_ =	shalt  }
0x43: {  	_ =	shalt  }
0x44: {  	_ =	shalt  }
0x45: {  	_ =	shalt  }
0x46: {  	_ =	shalt  }
0x47: {  	_ =	shalt  }
0x48: {  	_ =	shalt  }
0x49: {  	_ =	shalt  }
0x4a: {  	_ =	shalt  }
0x4b: {  	_ =	shalt  }
0x4c: {  	_ =	shalt  }
0x4d: {  	_ =	shalt  }
0x4e: {  	_ =	shalt  }
0x4f: {  	_ =	shalt  }
0x50: {  	_ =	shalt  }
0x51: {  	_ =	shalt  }
0x52: {  	_ =	shalt  }
0x53: {  	_ =	shalt  }
0x54: {  	_ =	shalt  }
0x55: {  	_ =	shalt  }
0x56: {  	_ =	shalt  }
0x57: {  	_ =	shalt  }
0x58: {  	_ =	shalt  }
0x59: {  	_ =	shalt  }
0x5a: {  	_ =	shalt  }
0x5b: {  	_ =	shalt  }
0x5c: {  	_ =	shalt  }
0x5d: {  	_ =	shalt  }
0x5e: {  	_ =	shalt  }
0x5f: {  	_ =	shalt  }
0x60: {  	_ =	shalt  }
0x61: {  	_ =	shalt  }
0x62: {  	_ =	shalt  }
0x63: {  	_ =	shalt  }
0x64: {  	_ =	shalt  }
0x65: {  	_ =	shalt  }
0x66: {  	_ =	shalt  }
0x67: {  	_ =	shalt  }
0x68: {  	_ =	shalt  }
0x69: {  	_ =	shalt  }
0x6a: {  	_ =	shalt  }
0x6b: {  	_ =	shalt  }
0x6c: {  	_ =	shalt  }
0x6d: {  	_ =	shalt  }
0x6e: {  	_ =	shalt  }
0x6f: {  	_ =	shalt  }
0x70: {  	_ =	shalt  }
0x71: {  	_ =	shalt  }
0x72: {  	_ =	shalt  }
0x73: {  	_ =	shalt  }
0x74: {  	_ =	shalt  }
0x75: {  	_ =	shalt  }
0x76: {  	_ =	shalt  }
0x77: {  	_ =	shalt  }
0x78: {  	_ =	shalt  }
0x79: {  	_ =	shalt  }
0x7a: {  	_ =	shalt  }
0x7b: {  	_ =	shalt  }
0x7c: {  	_ =	shalt  }
0x7d: {  	_ =	shalt  }
0x7e: {  	_ =	shalt  }
0x7f: {  	_ =	shalt  }
0x80: {  	_ =	shalt  }
0x81: {  	_ =	shalt  }
0x82: {  	_ =	shalt  }
0x83: {  	_ =	shalt  }
0x84: {  	_ =	shalt  }
0x85: {  	_ =	shalt  }
0x86: {  	_ =	shalt  }
0x87: {  	_ =	shalt  }
.Lfunc_end0:
.L_simem_size_0:
called_computation.1_lowered:
.L_overlay_start_0:
0x88: {  	s2 =	sld [smem:$0x3FD9]  }
0x89: {  	s3 =	sld [smem:$0x3FFE];
	_ =	sdelay $0x1  }
0x8a: {  	s1 =	srdreg.scid  }
0x8b: {  	s0 =	sand.u32 $0x1, s1  }
0x8c: {  	s17 =	sshll.u32 s0, $0xA;
	s2 =	sadd.s32 s3, s2  }
0x8d: {  	s2 =	sadd.s32 s2, s17  }
0x8e: {  	[smem:$0x3FC2] =	sst s2  }
0x8f: {  	_ = 	snop  }
0x90: {  	s2 =	sld [smem:$0x3FD0];
	(tm) =	ssettm $0x1  }
0x91: {  	s18 =	sld [smem:$0x3FFB];
	_ =	sdelay $0x3  }
0x92: {  	_ =	strace s18  }
0x93: {  	s3 =	sld [smem:$0x3FFC];
	_ =	sdelay $0x3  }
0x94: {  	_ =	strace s3  }
0x95: {  	s3 =	sld [smem:$0x3FFD];
	_ =	sdelay $0x3  }
0x96: {  	_ =	strace s3  }
0x97: {  	_ =	strace $0x8FFFFFFF  }
0x98: {  	s19 =	sld [smem:$0x3FDB];
	_ =	sdelay $0x1  }
0x99: {  	s4 =	simm.s32 $_scs_section_size  }
0x9a: {  	s5 =	simm.s32 $_size__tile_overlayer_lowered;
	s6 =	simm.s32 $_tile_overlayer_lowered  }
0x9b: {  	s22 =	simm.s32 $0x1BFF;
	s21 =	sshll.u32 s6, $0x1;
	s3 =	sadd.s32 s4, s19  }
0x9c: {  	s7 =	simm.s32 $0x0;
	s20 =	sshll.u32 s5, $0x1;
	s5 =	sadd.s32 s21, s3  }
0x9d: {  	[timem:s7], [sflag:s22] =	dma.local [hbm:s5], s20  }
0x9e: {  	_ =	swait.ge [sflag:s22], s20  }
0x9f: {  	s4 =	ssub.s32 $0x0, s20;
	[sflag:s22] =	ssyncset.done $0x0  }
0xa0: {  	[sflag:s22] =	ssyncadd.s32 s4;
	_ =	sdelay $0x1  }
0xa1: {  	s23 =	simm.s32 $0x1B8B  }
0xa2: {  	_ =	swait.ge [sflag:s23], $0x1  }
0xa3: {  	[sflag:s23] =	ssyncset.done $0x0  }
0xa4: {  	s25 =	simm.s32 $0x1B8E;
	s24 =	sld [smem:$0x3FFE];
	[sflag:s23] =	ssyncadd.s32 $0xFFFFFFFF  }
0xa5: {  	s26 =	simm.s32 $execute0_lowered;
	[smem:$0x3FD2] =	sst s25  }
0xa6: {  	s5 =	sshll.u32 s26, $0x1;
	_ =	strace $0x80000049;
	[dreg:$0x1] =	wrdreg $0xFFFFFFFF  }
0xa7: {  	s28 =	simm.s32 $_size_execute0_lowered;
	s3 =	sadd.s32 s3, s5;
	[dreg:$0x0] =	wrdreg $0x0  }
0xa8: {  	s5 =	sshll.u32 s28, $0x1;
	[dreg:$0x2] =	wrdreg s3  }
0xa9: {  	[dreg:$0x3] =	wrdreg s5  }
0xaa: {  	[dreg:$0x4] =	wrdreg $0xC0  }
0xab: {  	_ =	task [dreg:s7], $0x5FFFF  }
0xac: {  	[dreg:$0x1] =	wrdreg $0xFFFFFFFF  }
0xad: {  	[dreg:$0x0] =	wrdreg $0x60  }
0xae: {  	[dreg:$0x2] =	wrdreg s2  }
0xaf: {  	[dreg:$0x3] =	wrdreg s24  }
0xb0: {  	[dreg:$0x4] =	wrdreg $0xAD000  }
0xb1: {  	[dreg:$0x5] =	wrdreg $0x9  }
0xb2: {  	_ =	task.clear_ibuf [dreg:s7], $0x6FFFF;
	_ =	strace $0x90000049  }
0xb3: {  	s29 =	simm.s32 $0x9;
	_ =	strace $0x8000004B  }
0xb4: {  	_ =	swait.ge [sflag:s29], $0x1  }
0xb5: {  	[sflag:s29] =	ssyncadd.s32 $0xFFFFFFFF  }
0xb6: {  	_ =	strace $0x9000004B  }
0xb7: {  	_ =	sfence  }
0xb8: {  	s30 =	sld [smem:$0x0];
	_ =	sdelay $0x2  }
0xb9: {  	s31 =	sshll.u32 s1, $0xD;
	s1 =	sshrl.u32 s1, $0x2  }
0xba: {  	s3 =	sand.u32 $0x4000, s31;
	s1 =	sadd.s32 s1, s30  }
0xbb: {  	s0 =	sor.u32 s3, s0;
	s1 =	sshll.u32 s1, $0x11  }
0xbc: {  	s0 =	sor.u32 s1, s0  }
0xbd: {  	s0 =	sadd.s32 $0x8F2B, s0  }
0xbe: {  	[sflag:s0] =	ssyncadd.remote.s32 $0x1  }
0xbf: {  	_ =	sfence.sel $0xFFFF  }
0xc0: {  	[dreg:$0x0] =	wrdreg $0xFFFFFFFF;
	(pc) =	sbr.abs _section_cstart, $3  }
0xc1: {  	[dreg:$0x1] =	wrdreg $0xFFFFFFFF  }
0xc2: {  	_ =	task.clear_ibuf [dreg:s7], $0x2FFFF;
	_ =	strace $0x9FFFFFFF  }
0xc3: {  	(tm) =	ssettm $0x7FFFFFFF  }
tec
execute0_lowered:
.L_overlay_start_1:
0x0: {  	(tag) =	ssettag $0x1  }
0x1: {  	s1 =	rddreg [dreg:$0x0];
	s0 =	srdreg.scid  }
0x2: {  	s12 =	stileid.u32;
	s2 =	rddreg [dreg:$0x1]  }
0x3: {  	s3 =	rddreg [dreg:$0x2];
	s4 =	simm.s32 $0x0;
	s18 =	simm.s32 $0x5  }
0x4: {  	s19 =	simm.s32 $0x2D00;
	s20 =	simm.s32 $0x2C00;
	s5 =	smul.u32 $0x5800, s12  }
0x5: {  	s21 =	simm.s32 $0x2C80;
	s22 =	simm.s32 $0x1;
	s8 =	smul.u32 $0x14000, s12  }
0x6: {  	s23 =	simm.s32 $0x2;
	s24 =	simm.s32 $0x6D00;
	s10 =	smul.u32 $0x50000, s12  }
0x7: {  	s0 =	sand.u32 $0x1, s0;
	s25 =	sshll.u32 s12, $0x1;
	s12 =	smul.u32 $0x5200, s12  }
0x8: {  	s28 =	simm.s32 $0x4;
	s31 =	simm.s32 $0x0;
	s6 =	smul.u32 $0x2C00, s0  }
0x9: {  	[smem:$0x7FF] =	sst s4;
	s7 =	smul.u32 $0x140000, s0;
	s9 =	ssub.s32 $0x2, s0  }
0xa: {  	_ =	strace $0x8000004A;
	s26 =	sshrl.u32 s9, $0x1;
	s29 =	sshrl.u32 s10, $0x2  }
0xb: {  	s6 =	sadd.s32 s6, s5;
	s5 =	sadd.s32 $0xD400, s2;
	s7 =	sadd.s32 s8, s7  }
0xc: {  	s8 =	sor.u32 s0, s25;
	s15 =	ssub.s32 s9, s26;
	s0 =	smul.u32 $0x2900, s0  }
0xd: {  	s25 =	simm.s32 $0x3;
	s26 =	simm.s32 $0x80;
	s6 =	sshrl.u32 s6, $0x3  }
0xe: {  	s7 =	sshrl.u32 s7, $0x3;
	s11 =	smul.u32 $0x2900, s8;
	s15 =	smax.u32 s15, $0x1  }
0xf: {  	s6 =	sadd.s32 s6, s2;
	s2 =	sadd.s32 s7, s2;
	s7 =	sadd.s32 s29, s3  }
0x10: {  	s0 =	sadd.s32 s0, s12;
	s6 =	sadd.s32 $0x2400, s6;
	s8 =	sadd.s32 $0x4000, s7  }
0x11: {  	s9 =	sadd.s32 $0x8000, s7;
	s11 =	sshrl.u32 s11, $0x3;
	s10 =	sadd.s32 $0xC000, s7  }
0x12: {  	s12 =	sadd.s32 $0x10000, s7;
	s16 =	sadd.s32 $0x180, s0;
	s14 =	sadd.s32 $0x17800, s2  }
0x13: {  	s17 =	sadd.s32 $0x100, s0;
	s11 =	sadd.s32 s5, s11;
	s30 =	sshrl.u32 s16, $0x3  }
0x14: {  	v0 =	vimm.f32 $0.0e+00;
	[dreg:$0x4] =	wrdreg s6;
	s13 =	sadd.s32 $0x10, s11;
	s16 =	sadd.s32 s30, s5  }
.LBB2_1:
0x15: {  	s0 =	rddreg [dreg:$0x4]  }
0x16: {  	[tilespmem:s4], [sflag:$0x5] =	stream.linear.gather [hbm4b:s0+s4], $0x2900, $0x38;
	[tilespmem:$0x1ED00] =	vst v63  }
0x17: {  	_ =	swait.ge [sflag:s18], $0x2900  }
0x18: {  	[sflag:s18] =	ssyncset.done $0x0  }
0x19: {  	s2 =	simm.s32 $0x200;
	s0 =	simm.s32 $0x0;
	[sflag:s18] =	ssyncadd.s32 $0xFFFFD700  }
.LBB2_2:
0x1a: {  	p0 =	sne.s32 s2, $0xFE00;
	[tilespmem:s0+$0x2D70] =	vst v0  }
0x1b: {  	[tilespmem:s0+$0x2D00] =	vst v0  }
0x1c: {  	[tilespmem:s0+$0x2D10] =	vst v0  }
.Ltmp0:
0x1d: {  	[tilespmem:s0+$0x2D20] =	vst v0;
	(pc) =	sbr.rel @p0 .LBB2_2-.Ltmp0, $4  }
0x1e: {  	[tilespmem:s0+$0x2D30] =	vst v0  }
0x1f: {  	[tilespmem:s0+$0x2D40] =	vst v0  }
0x20: {  	[tilespmem:s0+$0x2D50] =	vst v0  }
0x21: {  	[tilespmem:s0+$0x2D60] =	vst v0;
	s0 =	sshra.s32 s2, $0x2;
	s2 =	sadd.s32 $0x200, s2  }
0x22: {  	[tilespmem:s0+$0x2D70] =	vst v0  }
0x23: {  	[tilespmem:s0+$0x2D00] =	vst v0  }
0x24: {  	[tilespmem:s0+$0x2D10] =	vst v0  }
0x25: {  	[tilespmem:s0+$0x2D20] =	vst v0  }
0x26: {  	[tilespmem:s0+$0x2D30] =	vst v0  }
0x27: {  	[tilespmem:s0+$0x2D40] =	vst v0  }
0x28: {  	[tilespmem:s0+$0x2D50] =	vst v0  }
0x29: {  	[tilespmem:s0+$0x2D60] =	vst v0  }
0x2a: {  	[spmem:s7] =	stream.linear.scatter [tilespmem:s19], [sflag:$0x5], $0x4000, $0x38;
	[tilespmem:$0x1ED00] =	vst v63  }
0x2b: {  	_ =	swait.ge [sflag:s18], $0x4000  }
0x2c: {  	[sflag:s18] =	ssyncset.done $0x0  }
0x2d: {  	[sflag:s18] =	ssyncadd.s32 $0xFFFFC000  }
0x2e: {  	[spmem:s8] =	stream.linear.scatter [tilespmem:s19], [sflag:$0x5], $0x4000, $0x38;
	[tilespmem:$0x1ED00] =	vst v63  }
0x2f: {  	_ =	swait.ge [sflag:s18], $0x4000  }
0x30: {  	[sflag:s18] =	ssyncset.done $0x0  }
0x31: {  	[sflag:s18] =	ssyncadd.s32 $0xFFFFC000  }
0x32: {  	[spmem:s9] =	stream.linear.scatter [tilespmem:s19], [sflag:$0x5], $0x4000, $0x38;
	[tilespmem:$0x1ED00] =	vst v63  }
0x33: {  	_ =	swait.ge [sflag:s18], $0x4000  }
0x34: {  	[sflag:s18] =	ssyncset.done $0x0  }
0x35: {  	[sflag:s18] =	ssyncadd.s32 $0xFFFFC000  }
0x36: {  	[spmem:s10] =	stream.linear.scatter [tilespmem:s19], [sflag:$0x5], $0x4000, $0x38;
	[tilespmem:$0x1ED00] =	vst v63  }
0x37: {  	_ =	swait.ge [sflag:s18], $0x4000  }
0x38: {  	[sflag:s18] =	ssyncset.done $0x0  }
0x39: {  	[sflag:s18] =	ssyncadd.s32 $0xFFFFC000  }
0x3a: {  	[spmem:s12] =	stream.linear.scatter [tilespmem:s19], [sflag:$0x5], $0x4000, $0x38;
	[tilespmem:$0x1ED00] =	vst v63  }
0x3b: {  	_ =	swait.ge [sflag:s18], $0x4000  }
0x3c: {  	[sflag:s18] =	ssyncset.done $0x0  }
0x3d: {  	[sflag:s18] =	ssyncadd.s32 $0xFFFFC000  }
0x3e: {  	s2 =	simm.s32 $0x0;
	[bflag:$0x0] =	sbarrier.arrive $0xFFFF  }
0x3f: {  	[tilespmem:s20], [sflag:$0x1] =	stream.linear.gather [hbm4b:s11+s2], $0x80, $0x38;
	[tilespmem:$0x1ED00] =	vst v63  }
0x40: {  	_ = 	snop  }
0x41: {  	[tilespmem:s21], [sflag:$0x2] =	stream.linear.gather [hbm4b:s13+s2], $0x80, $0x38;
	[tilespmem:$0x1ED00] =	vst v63  }
0x42: {  	_ =	swait.ge [sflag:s22], $0x80  }
0x43: {  	[sflag:s22] =	ssyncset.done $0x0  }
0x44: {  	s0 =	simm.s32 $0x80;
	[sflag:s22] =	ssyncadd.s32 $0xFFFFFF80  }
0x45: {  	[tilespmem:s19], [sflag:$0x3] =	stream.indirect.gather [hbm4b:s1+s0], $0x80, s20, s0, $0xb8;
	[tilespmem:$0x1ED00] =	vst v63  }
0x46: {  	_ =	swait.ge [sflag:s23], $0x80  }
0x47: {  	[sflag:s23] =	ssyncset.done $0x0  }
0x48: {  	[sflag:s23] =	ssyncadd.s32 $0xFFFFFF80  }
0x49: {  	[tilespmem:s24], [sflag:$0x4] =	stream.indirect.gather [hbm4b:s1+s0], $0x80, s21, s0, $0xb8;
	[tilespmem:$0x1ED00] =	vst v63  }
0x4a: {  	_ =	swait.ge [sflag:s25], $0x4000  }
0x4b: {  	s2 =	sshrl.u32 s17, $0x3;
	[sflag:s25] =	ssyncset.done $0x0  }
0x4c: {  	s2 =	sadd.s32 s5, s2;
	[sflag:s25] =	ssyncadd.s32 $0xFFFFC000  }
0x4d: {  	[tilespmem:s20], [sflag:$0x1] =	stream.linear.gather [hbm4b:s2+s4], $0x80, $0x38;
	[tilespmem:$0x1ED00] =	vst v63  }
0x4e: {  	s6 =	simm.s32 $0x0  }
0x4f: {  	[spmem:s3] =	stream.indirect.scatter.add.f32 [tilespmem:s19], [sflag:$0x5], $0x80, s6, s26, $0xb8;
	[tilespmem:$0x1ED00] =	vst v63  }
0x50: {  	_ =	swait.ge [sflag:s18], $0x4000  }
0x51: {  	[sflag:s18] =	ssyncset.done $0x0  }
0x52: {  	[sflag:s18] =	ssyncadd.s32 $0xFFFFC000  }
0x53: {  	_ =	swait.ge [sflag:s22], $0x80  }
0x54: {  	[sflag:s22] =	ssyncset.done $0x0  }
0x55: {  	[sflag:s22] =	ssyncadd.s32 $0xFFFFFF80  }
0x56: {  	[tilespmem:s19], [sflag:$0x3] =	stream.indirect.gather [hbm4b:s1+s26], $0x80, s20, s26, $0xb8;
	[tilespmem:$0x1ED00] =	vst v63  }
0x57: {  	_ =	swait.ge [sflag:s28], $0x4000  }
0x58: {  	[sflag:s28] =	ssyncset.done $0x0  }
0x59: {  	s30 =	sadd.s32 $0x0, s16;
	[sflag:s28] =	ssyncadd.s32 $0xFFFFC000  }
0x5a: {  	[tilespmem:s21], [sflag:$0x2] =	stream.linear.gather [hbm4b:s30+s4], $0x80, $0x38;
	[tilespmem:$0x1ED00] =	vst v63  }
0x5b: {  	_ = 	snop  }
0x5c: {  	[spmem:s3] =	stream.indirect.scatter.add.f32 [tilespmem:s24], [sflag:$0x5], $0x80, s0, s26, $0xb8;
	[tilespmem:$0x1ED00] =	vst v63  }
0x5d: {  	_ =	swait.ge [sflag:s18], $0x4000  }
0x5e: {  	[sflag:s18] =	ssyncset.done $0x0  }
0x5f: {  	[sflag:s18] =	ssyncadd.s32 $0xFFFFC000  }
0x60: {  	_ =	swait.ge [sflag:s23], $0x80  }
0x61: {  	s29 =	sadd.s32 $0x100, s17;
	[sflag:s23] =	ssyncset.done $0x0  }
0x62: {  	s2 =	simm.s32 $0x20;
	s0 =	simm.s32 $0x180;
	[sflag:s23] =	ssyncadd.s32 $0xFFFFFF80  }
.LBB2_4:
0x63: {  	[tilespmem:s24], [sflag:$0x4] =	stream.indirect.gather [hbm4b:s1+s26], $0x80, s21, s26, $0xb8;
	[tilespmem:$0x1ED00] =	vst v63  }
0x64: {  	s30 =	smov.u32 s2  }
0x65: {  	p0 =	sne.s32 s2, $0x4E0;
	s2 =	sadd.s32 $0x20, s2;
	_ =	swait.ge [sflag:s25], $0x4000  }
0x66: {  	s6 =	sshrl.u32 s29, $0x3;
	[sflag:s25] =	ssyncset.done $0x0  }
0x67: {  	s6 =	sadd.s32 s5, s6;
	[sflag:s25] =	ssyncadd.s32 $0xFFFFC000  }
0x68: {  	[tilespmem:s20], [sflag:$0x1] =	stream.linear.gather [hbm4b:s6+s4], $0x80, $0x38;
	[tilespmem:$0x1ED00] =	vst v63  }
0x69: {  	s6 =	sadd.s32 $0xFFFFFF80, s0  }
0x6a: {  	[spmem:s3] =	stream.indirect.scatter.add.f32 [tilespmem:s19], [sflag:$0x5], $0x80, s6, s26, $0xb8;
	[tilespmem:$0x1ED00] =	vst v63  }
0x6b: {  	_ =	swait.ge [sflag:s18], $0x4000  }
0x6c: {  	[sflag:s18] =	ssyncset.done $0x0  }
0x6d: {  	[sflag:s18] =	ssyncadd.s32 $0xFFFFC000  }
0x6e: {  	_ =	swait.ge [sflag:s22], $0x80  }
0x6f: {  	[sflag:s22] =	ssyncset.done $0x0  }
0x70: {  	[sflag:s22] =	ssyncadd.s32 $0xFFFFFF80  }
0x71: {  	[tilespmem:s19], [sflag:$0x3] =	stream.indirect.gather [hbm4b:s1+s26], $0x80, s20, s26, $0xb8;
	[tilespmem:$0x1ED00] =	vst v63  }
0x72: {  	_ =	swait.ge [sflag:s28], $0x4000  }
0x73: {  	[sflag:s28] =	ssyncset.done $0x0  }
0x74: {  	s6 =	sadd.s32 s30, s16;
	[sflag:s28] =	ssyncadd.s32 $0xFFFFC000  }
0x75: {  	[tilespmem:s21], [sflag:$0x2] =	stream.linear.gather [hbm4b:s6+s4], $0x80, $0x38;
	[tilespmem:$0x1ED00] =	vst v63  }
0x76: {  	_ = 	snop  }
0x77: {  	[spmem:s3] =	stream.indirect.scatter.add.f32 [tilespmem:s24], [sflag:$0x5], $0x80, s0, s26, $0xb8;
	[tilespmem:$0x1ED00] =	vst v63  }
0x78: {  	_ =	swait.ge [sflag:s18], $0x4000  }
.Ltmp1:
0x79: {  	[sflag:s18] =	ssyncset.done $0x0;
	(pc) =	sbr.rel @p0 .LBB2_4-.Ltmp1, $4  }
0x7a: {  	[sflag:s18] =	ssyncadd.s32 $0xFFFFC000  }
0x7b: {  	_ =	swait.ge [sflag:s23], $0x80  }
0x7c: {  	[sflag:s23] =	ssyncset.done $0x0  }
0x7d: {  	s29 =	sadd.s32 $0x100, s29;
	s0 =	sadd.s32 $0x100, s0;
	[sflag:s23] =	ssyncadd.s32 $0xFFFFFF80  }
0x7e: {  	[tilespmem:s24], [sflag:$0x4] =	stream.indirect.gather [hbm4b:s1+s26], $0x80, s21, s26, $0xb8;
	[tilespmem:$0x1ED00] =	vst v63  }
0x7f: {  	_ =	swait.ge [sflag:s25], $0x4000  }
0x80: {  	[sflag:s25] =	ssyncset.done $0x0  }
0x81: {  	s0 =	simm.s32 $0x2800;
	[sflag:s25] =	ssyncadd.s32 $0xFFFFC000  }
0x82: {  	[spmem:s3] =	stream.indirect.scatter.add.f32 [tilespmem:s19], [sflag:$0x5], $0x80, s0, s26, $0xb8;
	[tilespmem:$0x1ED00] =	vst v63  }
0x83: {  	_ =	swait.ge [sflag:s18], $0x4000  }
0x84: {  	[sflag:s18] =	ssyncset.done $0x0  }
0x85: {  	[sflag:s18] =	ssyncadd.s32 $0xFFFFC000  }
0x86: {  	_ =	swait.ge [sflag:s28], $0x4000  }
0x87: {  	[sflag:s28] =	ssyncset.done $0x0  }
0x88: {  	s29 =	simm.s32 $0x2880;
	[sflag:s28] =	ssyncadd.s32 $0xFFFFC000  }
0x89: {  	[spmem:s3] =	stream.indirect.scatter.add.f32 [tilespmem:s24], [sflag:$0x5], $0x80, s29, s26, $0xb8;
	[tilespmem:$0x1ED00] =	vst v63  }
0x8a: {  	s30 =	stileid.u32;
	_ =	swait.ge [sflag:s18], $0x4000  }
0x8b: {  	s2 =	sshrl.u32 s7, $0x3;
	s31 =	sadd.s32 $0x1, s31;
	[sflag:s18] =	ssyncset.done $0x0  }
0x8c: {  	p0 =	sne.s32 s31, s15;
	s0 =	sshll.u32 s30, $0x6;
	[sflag:s18] =	ssyncadd.s32 $0xFFFFC000  }
.Ltmp2:
0x8d: {  	s0 =	sor.u32 $0x1C05, s0;
	[bflag:$0x0] =	sbarrier.arrive $0xFFFF;
	(pc) =	sbr.rel @p0 .LBB2_1-.Ltmp2, $4  }
0x8e: {  	[hbm:s14], [sflag:s0] =	dma.local [spmem:s2], $0x2800  }
0x8f: {  	_ =	swait.ge [sflag:s18], $0x2800  }
0x90: {  	[sflag:s18] =	ssyncset.done $0x0  }
0x91: {  	[sflag:s18] =	ssyncadd.s32 $0xFFFFD800  }
0x92: {  	_ =	sfence.sel $0x180000  }
0x93: {  	[bflag:$0x0] =	sbarrier.arrive $0xFFFF  }
0x94: {  	_ =	strace $0x9000004A  }
0x95: {  	s0 =	stileid.u32;
	[bflag:$0x2] =	sbarrier.arrive $0xFFFF  }
0x96: {  	p0 =	sne.s32 s0, $0x0;
	s0 =	rddreg [dreg:$0x3]  }
0x97: {  	s0 =	sadd.s32 @!p0 $0x100000, s0  }
0x98: {  	[sflag:s0] =	ssyncadd.tile.s32 @!p0 $0x1;
	_ =	shalt  }
.Lfunc_end2:
_tile_overlayer_lowered:
.L_overlay_start_2:
0x99: {  	(tag) =	ssettag $0x2  }
0x9a: {  	s0 =	rddreg [dreg:$0x0];
	s2 =	stileid.u32  }
0x9b: {  	s1 =	rddreg [dreg:$0x1];
	p0 =	sne.s32 s2, $0x0  }
0x9c: {  	s3 =	rddreg [dreg:$0x2];
	[bflag:$0x3] =	sbarrier.arrive $0xFFFF;
	s2 =	simm.s32 @!p0 $0x1C05  }
0x9d: {  	[timem:s3], [sflag:s2] =	dma.local @!p0 [hbm:s0], s1  }
0x9e: {  	s0 =	simm.s32 @!p0 $0x5  }
0x9f: {  	_ =	swait.ge @!p0 [sflag:s0], s1  }
0xa0: {  	s1 =	ssub.s32 @!p0 $0x0, s1;
	[sflag:s0] =	ssyncset.done @!p0 $0x0  }
0xa1: {  	[sflag:s0] =	ssyncadd.s32 @!p0 s1  }
0xa2: {  	[bflag:$0x3] =	sbarrier.arrive $0xFFFF  }
0xa3: {  	_ =	shalt  }

// kernel: kernel.14.cloned.1.call-start
scs
__scs_entry_jumppad:
0x0: {  	(pc) =	sbr.rel $0x88, $3  }
0x1: {  	(tag) =	ssettag $0x0;
	lr =	simm.s32 $0x1  }
0x2: {  	[smem:$0x3F9B] =	sst lr;
	_ =	strace $0xD0000000  }
0x3: {  	_ = 	snop  }
0x4: {  	_ = 	snop  }
0x5: {  	_ = 	snop  }
0x6: {  	_ = 	snop  }
0x7: {  	_ = 	snop  }
__scs_overlays_trampoline_lowered:
0x8: {  	[smem:$0x3FAA] =	sst s0  }
0x9: {  	[smem:$0x3FAB] =	sst s1  }
0xa: {  	[smem:$0x3FAC] =	sst s2  }
0xb: {  	[smem:$0x3FAD] =	sst s3  }
0xc: {  	[smem:$0x3FAE] =	sst s4  }
0xd: {  	[smem:$0x3FAF] =	sst s5  }
0xe: {  	[smem:$0x3FB0] =	sst s6  }
0xf: {  	[smem:$0x3FB1] =	sst s7  }
0x10: {  	[smem:$0x3FB2] =	sst s8  }
0x11: {  	[smem:$0x3FB3] =	sst s9;
	s0 =	simm.s32 @!p0 $0x0  }
0x12: {  	s1 =	sld [smem:$0x3F99];
	s0 =	simm.s32 @p0 $0x1  }
0x13: {  	[smem:$0x3FB4] =	sst s0;
	s0 =	simm.s32 @!p1 $0x0  }
0x14: {  	s2 =	sld [smem:$0x3F98];
	s0 =	simm.s32 @p1 $0x1  }
0x15: {  	[smem:$0x3FB5] =	sst s0;
	s0 =	simm.s32 @!p2 $0x0  }
0x16: {  	s3 =	sld [smem:$0x3FDB];
	s0 =	simm.s32 @p2 $0x1  }
0x17: {  	s4 =	simm.s32 $0x1BF5;
	[smem:$0x3FB7] =	sst s0  }
0x18: {  	s0 =	sld [smem:$0x3F9A];
	_ =	swait.ge [sflag:s4], $0x0  }
0x19: {  	s7 =	sld [smem:$0x3F9B]  }
0x1a: {  	s8 =	sadd.s32 $0xFFFFE003, lr  }
0x1b: {  	s9 =	sadd.s32 $0xFFFFFEF7, lr;
	s5 =	simm.s32 $0xFFFFFFFF;
	p2 =	slt.u32 s8, $0xFFFFF086  }
0x1c: {  	p1 =	slt.u32 s9, $0xF7A;
	s5 =	simm.s32 @!p2 $0x0  }
0x1d: {  	s5 =	simm.s32 @p1 $0x1;
	p0 =	seq.s32 s7, s2  }
0x1e: {  	s7 =	smul.u32 @!p0 $0xF7A, s2;
	p2 =	seq.s32 @!p0 s5, $0x0  }
0x1f: {  	s9 =	smul.u32 $0xF7A, s1;
	s8 =	simm.s32 @!p0 $0x1BF5;
	p2 =	por !p2, p0  }
0x20: {  	[sflag:s8] =	ssyncset.s32 @!p0 $0xFFFFF086;
	s6 =	sadd.s32 @!p0 s3, s7;
	s7 =	simm.s32 @!p0 $0x108  }
0x21: {  	s3 =	sadd.s32 s3, s9;
	s6 =	sadd.s32 @!p0 $0x88, s6;
	s7 =	simm.s32 @p2 $0x1082  }
0x22: {  	[simem:s7], [sflag:s8] =	dma.local @!p0 [hbm:s6], $0xF7A  }
0x23: {  	s9 =	sor.u32 $0xD0000000, s2;
	s6 =	simm.s32 $0x108;
	_ =	swait.ge @!p0 [sflag:s8], $0x0  }
0x24: {  	s3 =	sadd.s32 $0x88, s3;
	s6 =	simm.s32 @!p1 $0x1082;
	[sflag:s4] =	ssyncset.s32 $0xFFFFF086  }
0x25: {  	[simem:s6], [sflag:s4] =	dma.local [hbm:s3], $0xF7A  }
0x26: {  	[smem:$0x3F9B] =	sst s1;
	(tag) =	ssettag s2;
	_ =	strace s9  }
0x27: {  	s1 =	sld [smem:$0x3FAB]  }
0x28: {  	s2 =	sld [smem:$0x3FAC]  }
0x29: {  	s4 =	sld [smem:$0x3FAE]  }
0x2a: {  	p0 =	seq.s32 s5, $0x0;
	s5 =	sld [smem:$0x3FAF]  }
0x2b: {  	s6 =	sld [smem:$0x3FB0]  }
0x2c: {  	s7 =	sld [smem:$0x3FB1]  }
0x2d: {  	s3 =	simm.s32 $0x108;
	s8 =	sld [smem:$0x3FB2]  }
0x2e: {  	s3 =	simm.s32 @!p0 $0x1082;
	s9 =	sld [smem:$0x3FB3]  }
0x2f: {  	lr =	sadd.s32 s0, s3;
	s0 =	sld [smem:$0x3FAA]  }
0x30: {  	s3 =	sld [smem:$0x3FAD]  }
0x31: {  	[smem:$0x3FB6] =	sst s10  }
0x32: {  	s10 =	sld [smem:$0x3FB4];
	_ =	sdelay $0x3  }
0x33: {  	p0 =	seq.s32 s10, $0x1;
	s10 =	sld [smem:$0x3FB6];
	_ =	sdelay $0x3  }
0x34: {  	[smem:$0x3FB6] =	sst s10  }
0x35: {  	s10 =	sld [smem:$0x3FB5];
	_ =	sdelay $0x3  }
0x36: {  	p1 =	seq.s32 s10, $0x1;
	s10 =	sld [smem:$0x3FB6];
	_ =	sdelay $0x3  }
0x37: {  	[smem:$0x3FB6] =	sst s10  }
0x38: {  	s10 =	sld [smem:$0x3FB7]  }
0x39: {  	_ = 	snop;
	(pc) =	sbr.ind lr, $3  }
0x3a: {  	_ = 	snop  }
0x3b: {  	_ = 	snop  }
0x3c: {  	p2 =	seq.s32 s10, $0x1;
	s10 =	sld [smem:$0x3FB6]  }
0x3d: {  	_ =	shalt  }
0x3e: {  	_ =	shalt  }
0x3f: {  	_ =	shalt  }
0x40: {  	_ =	shalt  }
0x41: {  	_ =	shalt  }
0x42: {  	_ =	shalt  }
0x43: {  	_ =	shalt  }
0x44: {  	_ =	shalt  }
0x45: {  	_ =	shalt  }
0x46: {  	_ =	shalt  }
0x47: {  	_ =	shalt  }
0x48: {  	_ =	shalt  }
0x49: {  	_ =	shalt  }
0x4a: {  	_ =	shalt  }
0x4b: {  	_ =	shalt  }
0x4c: {  	_ =	shalt  }
0x4d: {  	_ =	shalt  }
0x4e: {  	_ =	shalt  }
0x4f: {  	_ =	shalt  }
0x50: {  	_ =	shalt  }
0x51: {  	_ =	shalt  }
0x52: {  	_ =	shalt  }
0x53: {  	_ =	shalt  }
0x54: {  	_ =	shalt  }
0x55: {  	_ =	shalt  }
0x56: {  	_ =	shalt  }
0x57: {  	_ =	shalt  }
0x58: {  	_ =	shalt  }
0x59: {  	_ =	shalt  }
0x5a: {  	_ =	shalt  }
0x5b: {  	_ =	shalt  }
0x5c: {  	_ =	shalt  }
0x5d: {  	_ =	shalt  }
0x5e: {  	_ =	shalt  }
0x5f: {  	_ =	shalt  }
0x60: {  	_ =	shalt  }
0x61: {  	_ =	shalt  }
0x62: {  	_ =	shalt  }
0x63: {  	_ =	shalt  }
0x64: {  	_ =	shalt  }
0x65: {  	_ =	shalt  }
0x66: {  	_ =	shalt  }
0x67: {  	_ =	shalt  }
0x68: {  	_ =	shalt  }
0x69: {  	_ =	shalt  }
0x6a: {  	_ =	shalt  }
0x6b: {  	_ =	shalt  }
0x6c: {  	_ =	shalt  }
0x6d: {  	_ =	shalt  }
0x6e: {  	_ =	shalt  }
0x6f: {  	_ =	shalt  }
0x70: {  	_ =	shalt  }
0x71: {  	_ =	shalt  }
0x72: {  	_ =	shalt  }
0x73: {  	_ =	shalt  }
0x74: {  	_ =	shalt  }
0x75: {  	_ =	shalt  }
0x76: {  	_ =	shalt  }
0x77: {  	_ =	shalt  }
0x78: {  	_ =	shalt  }
0x79: {  	_ =	shalt  }
0x7a: {  	_ =	shalt  }
0x7b: {  	_ =	shalt  }
0x7c: {  	_ =	shalt  }
0x7d: {  	_ =	shalt  }
0x7e: {  	_ =	shalt  }
0x7f: {  	_ =	shalt  }
0x80: {  	_ =	shalt  }
0x81: {  	_ =	shalt  }
0x82: {  	_ =	shalt  }
0x83: {  	_ =	shalt  }
0x84: {  	_ =	shalt  }
0x85: {  	_ =	shalt  }
0x86: {  	_ =	shalt  }
0x87: {  	_ =	shalt  }
.Lfunc_end0:
.L_simem_size_0:
called_computation.2_lowered:
.L_overlay_start_0:
0x88: {  	s2 =	sld [smem:$0x3FD9]  }
0x89: {  	s3 =	sld [smem:$0x3FFE];
	_ =	sdelay $0x1  }
0x8a: {  	s1 =	srdreg.scid  }
0x8b: {  	s0 =	sand.u32 $0x1, s1  }
0x8c: {  	s17 =	sshll.u32 s0, $0xA;
	s2 =	sadd.s32 s3, s2  }
0x8d: {  	s2 =	sadd.s32 s2, s17  }
0x8e: {  	[smem:$0x3FC2] =	sst s2  }
0x8f: {  	_ = 	snop  }
0x90: {  	s2 =	sld [smem:$0x3FD0];
	(tm) =	ssettm $0x1  }
0x91: {  	s18 =	sld [smem:$0x3FFB];
	_ =	sdelay $0x3  }
0x92: {  	_ =	strace s18  }
0x93: {  	s3 =	sld [smem:$0x3FFC];
	_ =	sdelay $0x3  }
0x94: {  	_ =	strace s3  }
0x95: {  	s3 =	sld [smem:$0x3FFD];
	_ =	sdelay $0x3  }
0x96: {  	_ =	strace s3  }
0x97: {  	_ =	strace $0x8FFFFFFF  }
0x98: {  	s19 =	sld [smem:$0x3FDB];
	_ =	sdelay $0x1  }
0x99: {  	s4 =	simm.s32 $_scs_section_size  }
0x9a: {  	s5 =	simm.s32 $_size__tile_overlayer_lowered;
	s6 =	simm.s32 $_tile_overlayer_lowered  }
0x9b: {  	s22 =	simm.s32 $0x1BFF;
	s21 =	sshll.u32 s6, $0x1;
	s3 =	sadd.s32 s4, s19  }
0x9c: {  	s7 =	simm.s32 $0x0;
	s20 =	sshll.u32 s5, $0x1;
	s5 =	sadd.s32 s21, s3  }
0x9d: {  	[timem:s7], [sflag:s22] =	dma.local [hbm:s5], s20  }
0x9e: {  	_ =	swait.ge [sflag:s22], s20  }
0x9f: {  	s4 =	ssub.s32 $0x0, s20;
	[sflag:s22] =	ssyncset.done $0x0  }
0xa0: {  	[sflag:s22] =	ssyncadd.s32 s4;
	_ =	sdelay $0x1  }
0xa1: {  	s23 =	simm.s32 $0x1B8B  }
0xa2: {  	_ =	swait.ge [sflag:s23], $0x1  }
0xa3: {  	[sflag:s23] =	ssyncset.done $0x0  }
0xa4: {  	s25 =	simm.s32 $0x1B8E;
	s24 =	sld [smem:$0x3FFE];
	[sflag:s23] =	ssyncadd.s32 $0xFFFFFFFF  }
0xa5: {  	s26 =	simm.s32 $execute0_lowered;
	[smem:$0x3FD2] =	sst s25  }
0xa6: {  	s5 =	sshll.u32 s26, $0x1;
	_ =	strace $0x8000004C;
	[dreg:$0x1] =	wrdreg $0xFFFFFFFF  }
0xa7: {  	s28 =	simm.s32 $_size_execute0_lowered;
	s3 =	sadd.s32 s3, s5;
	[dreg:$0x0] =	wrdreg $0x0  }
0xa8: {  	s5 =	sshll.u32 s28, $0x1;
	[dreg:$0x2] =	wrdreg s3  }
0xa9: {  	[dreg:$0x3] =	wrdreg s5  }
0xaa: {  	[dreg:$0x4] =	wrdreg $0xC0  }
0xab: {  	_ =	task [dreg:s7], $0x5FFFF  }
0xac: {  	[dreg:$0x1] =	wrdreg $0xFFFFFFFF  }
0xad: {  	[dreg:$0x0] =	wrdreg $0x60  }
0xae: {  	[dreg:$0x2] =	wrdreg s2  }
0xaf: {  	[dreg:$0x3] =	wrdreg s24  }
0xb0: {  	[dreg:$0x4] =	wrdreg $0xAD000  }
0xb1: {  	[dreg:$0x5] =	wrdreg $0x9  }
0xb2: {  	_ =	task.clear_ibuf [dreg:s7], $0x6FFFF;
	_ =	strace $0x9000004C  }
0xb3: {  	s29 =	simm.s32 $0x9;
	_ =	strace $0x8000004E  }
0xb4: {  	_ =	swait.ge [sflag:s29], $0x1  }
0xb5: {  	[sflag:s29] =	ssyncadd.s32 $0xFFFFFFFF  }
0xb6: {  	_ =	strace $0x9000004E  }
0xb7: {  	_ =	sfence  }
0xb8: {  	s30 =	sld [smem:$0x0];
	_ =	sdelay $0x2  }
0xb9: {  	s31 =	sshll.u32 s1, $0xD;
	s1 =	sshrl.u32 s1, $0x2  }
0xba: {  	s3 =	sand.u32 $0x4000, s31;
	s1 =	sadd.s32 s1, s30  }
0xbb: {  	s0 =	sor.u32 s3, s0;
	s1 =	sshll.u32 s1, $0x11  }
0xbc: {  	s0 =	sor.u32 s1, s0  }
0xbd: {  	s0 =	sadd.s32 $0x8F2B, s0  }
0xbe: {  	[sflag:s0] =	ssyncadd.remote.s32 $0x1  }
0xbf: {  	_ =	sfence.sel $0xFFFF  }
0xc0: {  	[dreg:$0x0] =	wrdreg $0xFFFFFFFF;
	(pc) =	sbr.abs _section_cstart, $3  }
0xc1: {  	[dreg:$0x1] =	wrdreg $0xFFFFFFFF  }
0xc2: {  	_ =	task.clear_ibuf [dreg:s7], $0x2FFFF;
	_ =	strace $0x9FFFFFFF  }
0xc3: {  	(tm) =	ssettm $0x7FFFFFFF  }
tec
execute0_lowered:
.L_overlay_start_1:
0x0: {  	(tag) =	ssettag $0x1  }
0x1: {  	s1 =	rddreg [dreg:$0x0];
	s0 =	srdreg.scid  }
0x2: {  	s12 =	stileid.u32;
	s2 =	rddreg [dreg:$0x1]  }
0x3: {  	s3 =	rddreg [dreg:$0x2];
	s4 =	simm.s32 $0x0;
	s18 =	simm.s32 $0x5  }
0x4: {  	s19 =	simm.s32 $0x2D00;
	s20 =	simm.s32 $0x2C00;
	s5 =	smul.u32 $0x5800, s12  }
0x5: {  	s21 =	simm.s32 $0x2C80;
	s22 =	simm.s32 $0x1;
	s8 =	smul.u32 $0x14000, s12  }
0x6: {  	s23 =	simm.s32 $0x2;
	s24 =	simm.s32 $0x6D00;
	s10 =	smul.u32 $0x50000, s12  }
0x7: {  	s0 =	sand.u32 $0x1, s0;
	s25 =	sshll.u32 s12, $0x1;
	s12 =	smul.u32 $0x5200, s12  }
0x8: {  	s28 =	simm.s32 $0x4;
	s31 =	simm.s32 $0x0;
	s6 =	smul.u32 $0x2C00, s0  }
0x9: {  	[smem:$0x7FF] =	sst s4;
	s7 =	smul.u32 $0x140000, s0;
	s9 =	ssub.s32 $0x2, s0  }
0xa: {  	_ =	strace $0x8000004D;
	s26 =	sshrl.u32 s9, $0x1;
	s29 =	sshrl.u32 s10, $0x2  }
0xb: {  	s6 =	sadd.s32 s6, s5;
	s5 =	sadd.s32 $0xD400, s2;
	s7 =	sadd.s32 s8, s7  }
0xc: {  	s8 =	sor.u32 s0, s25;
	s15 =	ssub.s32 s9, s26;
	s0 =	smul.u32 $0x2900, s0  }
0xd: {  	s25 =	simm.s32 $0x3;
	s26 =	simm.s32 $0x80;
	s6 =	sshrl.u32 s6, $0x3  }
0xe: {  	s7 =	sshrl.u32 s7, $0x3;
	s11 =	smul.u32 $0x2900, s8;
	s15 =	smax.u32 s15, $0x1  }
0xf: {  	s6 =	sadd.s32 s6, s2;
	s2 =	sadd.s32 s7, s2;
	s7 =	sadd.s32 s29, s3  }
0x10: {  	s0 =	sadd.s32 s0, s12;
	s6 =	sadd.s32 $0x2400, s6;
	s8 =	sadd.s32 $0x4000, s7  }
0x11: {  	s9 =	sadd.s32 $0x8000, s7;
	s11 =	sshrl.u32 s11, $0x3;
	s10 =	sadd.s32 $0xC000, s7  }
0x12: {  	s12 =	sadd.s32 $0x10000, s7;
	s16 =	sadd.s32 $0x180, s0;
	s14 =	sadd.s32 $0x17800, s2  }
0x13: {  	s17 =	sadd.s32 $0x100, s0;
	s11 =	sadd.s32 s5, s11;
	s30 =	sshrl.u32 s16, $0x3  }
0x14: {  	v0 =	vimm.f32 $0.0e+00;
	[dreg:$0x4] =	wrdreg s6;
	s13 =	sadd.s32 $0x10, s11;
	s16 =	sadd.s32 s30, s5  }
.LBB2_1:
0x15: {  	s0 =	rddreg [dreg:$0x4]  }
0x16: {  	[tilespmem:s4], [sflag:$0x5] =	stream.linear.gather [hbm4b:s0+s4], $0x2900, $0x38;
	[tilespmem:$0x1ED00] =	vst v63  }
0x17: {  	_ =	swait.ge [sflag:s18], $0x2900  }
0x18: {  	[sflag:s18] =	ssyncset.done $0x0  }
0x19: {  	s2 =	simm.s32 $0x200;
	s0 =	simm.s32 $0x0;
	[sflag:s18] =	ssyncadd.s32 $0xFFFFD700  }
.LBB2_2:
0x1a: {  	p0 =	sne.s32 s2, $0xFE00;
	[tilespmem:s0+$0x2D70] =	vst v0  }
0x1b: {  	[tilespmem:s0+$0x2D00] =	vst v0  }
0x1c: {  	[tilespmem:s0+$0x2D10] =	vst v0  }
.Ltmp0:
0x1d: {  	[tilespmem:s0+$0x2D20] =	vst v0;
	(pc) =	sbr.rel @p0 .LBB2_2-.Ltmp0, $4  }
0x1e: {  	[tilespmem:s0+$0x2D30] =	vst v0  }
0x1f: {  	[tilespmem:s0+$0x2D40] =	vst v0  }
0x20: {  	[tilespmem:s0+$0x2D50] =	vst v0  }
0x21: {  	[tilespmem:s0+$0x2D60] =	vst v0;
	s0 =	sshra.s32 s2, $0x2;
	s2 =	sadd.s32 $0x200, s2  }
0x22: {  	[tilespmem:s0+$0x2D70] =	vst v0  }
0x23: {  	[tilespmem:s0+$0x2D00] =	vst v0  }
0x24: {  	[tilespmem:s0+$0x2D10] =	vst v0  }
0x25: {  	[tilespmem:s0+$0x2D20] =	vst v0  }
0x26: {  	[tilespmem:s0+$0x2D30] =	vst v0  }
0x27: {  	[tilespmem:s0+$0x2D40] =	vst v0  }
0x28: {  	[tilespmem:s0+$0x2D50] =	vst v0  }
0x29: {  	[tilespmem:s0+$0x2D60] =	vst v0  }
0x2a: {  	[spmem:s7] =	stream.linear.scatter [tilespmem:s19], [sflag:$0x5], $0x4000, $0x38;
	[tilespmem:$0x1ED00] =	vst v63  }
0x2b: {  	_ =	swait.ge [sflag:s18], $0x4000  }
0x2c: {  	[sflag:s18] =	ssyncset.done $0x0  }
0x2d: {  	[sflag:s18] =	ssyncadd.s32 $0xFFFFC000  }
0x2e: {  	[spmem:s8] =	stream.linear.scatter [tilespmem:s19], [sflag:$0x5], $0x4000, $0x38;
	[tilespmem:$0x1ED00] =	vst v63  }
0x2f: {  	_ =	swait.ge [sflag:s18], $0x4000  }
0x30: {  	[sflag:s18] =	ssyncset.done $0x0  }
0x31: {  	[sflag:s18] =	ssyncadd.s32 $0xFFFFC000  }
0x32: {  	[spmem:s9] =	stream.linear.scatter [tilespmem:s19], [sflag:$0x5], $0x4000, $0x38;
	[tilespmem:$0x1ED00] =	vst v63  }
0x33: {  	_ =	swait.ge [sflag:s18], $0x4000  }
0x34: {  	[sflag:s18] =	ssyncset.done $0x0  }
0x35: {  	[sflag:s18] =	ssyncadd.s32 $0xFFFFC000  }
0x36: {  	[spmem:s10] =	stream.linear.scatter [tilespmem:s19], [sflag:$0x5], $0x4000, $0x38;
	[tilespmem:$0x1ED00] =	vst v63  }
0x37: {  	_ =	swait.ge [sflag:s18], $0x4000  }
0x38: {  	[sflag:s18] =	ssyncset.done $0x0  }
0x39: {  	[sflag:s18] =	ssyncadd.s32 $0xFFFFC000  }
0x3a: {  	[spmem:s12] =	stream.linear.scatter [tilespmem:s19], [sflag:$0x5], $0x4000, $0x38;
	[tilespmem:$0x1ED00] =	vst v63  }
0x3b: {  	_ =	swait.ge [sflag:s18], $0x4000  }
0x3c: {  	[sflag:s18] =	ssyncset.done $0x0  }
0x3d: {  	[sflag:s18] =	ssyncadd.s32 $0xFFFFC000  }
0x3e: {  	s2 =	simm.s32 $0x0;
	[bflag:$0x0] =	sbarrier.arrive $0xFFFF  }
0x3f: {  	[tilespmem:s20], [sflag:$0x1] =	stream.linear.gather [hbm4b:s11+s2], $0x80, $0x38;
	[tilespmem:$0x1ED00] =	vst v63  }
0x40: {  	_ = 	snop  }
0x41: {  	[tilespmem:s21], [sflag:$0x2] =	stream.linear.gather [hbm4b:s13+s2], $0x80, $0x38;
	[tilespmem:$0x1ED00] =	vst v63  }
0x42: {  	_ =	swait.ge [sflag:s22], $0x80  }
0x43: {  	[sflag:s22] =	ssyncset.done $0x0  }
0x44: {  	s0 =	simm.s32 $0x80;
	[sflag:s22] =	ssyncadd.s32 $0xFFFFFF80  }
0x45: {  	[tilespmem:s19], [sflag:$0x3] =	stream.indirect.gather [hbm4b:s1+s0], $0x80, s20, s0, $0xb8;
	[tilespmem:$0x1ED00] =	vst v63  }
0x46: {  	_ =	swait.ge [sflag:s23], $0x80  }
0x47: {  	[sflag:s23] =	ssyncset.done $0x0  }
0x48: {  	[sflag:s23] =	ssyncadd.s32 $0xFFFFFF80  }
0x49: {  	[tilespmem:s24], [sflag:$0x4] =	stream.indirect.gather [hbm4b:s1+s0], $0x80, s21, s0, $0xb8;
	[tilespmem:$0x1ED00] =	vst v63  }
0x4a: {  	_ =	swait.ge [sflag:s25], $0x4000  }
0x4b: {  	s2 =	sshrl.u32 s17, $0x3;
	[sflag:s25] =	ssyncset.done $0x0  }
0x4c: {  	s2 =	sadd.s32 s5, s2;
	[sflag:s25] =	ssyncadd.s32 $0xFFFFC000  }
0x4d: {  	[tilespmem:s20], [sflag:$0x1] =	stream.linear.gather [hbm4b:s2+s4], $0x80, $0x38;
	[tilespmem:$0x1ED00] =	vst v63  }
0x4e: {  	s6 =	simm.s32 $0x0  }
0x4f: {  	[spmem:s3] =	stream.indirect.scatter.add.f32 [tilespmem:s19], [sflag:$0x5], $0x80, s6, s26, $0xb8;
	[tilespmem:$0x1ED00] =	vst v63  }
0x50: {  	_ =	swait.ge [sflag:s18], $0x4000  }
0x51: {  	[sflag:s18] =	ssyncset.done $0x0  }
0x52: {  	[sflag:s18] =	ssyncadd.s32 $0xFFFFC000  }
0x53: {  	_ =	swait.ge [sflag:s22], $0x80  }
0x54: {  	[sflag:s22] =	ssyncset.done $0x0  }
0x55: {  	[sflag:s22] =	ssyncadd.s32 $0xFFFFFF80  }
0x56: {  	[tilespmem:s19], [sflag:$0x3] =	stream.indirect.gather [hbm4b:s1+s26], $0x80, s20, s26, $0xb8;
	[tilespmem:$0x1ED00] =	vst v63  }
0x57: {  	_ =	swait.ge [sflag:s28], $0x4000  }
0x58: {  	[sflag:s28] =	ssyncset.done $0x0  }
0x59: {  	s30 =	sadd.s32 $0x0, s16;
	[sflag:s28] =	ssyncadd.s32 $0xFFFFC000  }
0x5a: {  	[tilespmem:s21], [sflag:$0x2] =	stream.linear.gather [hbm4b:s30+s4], $0x80, $0x38;
	[tilespmem:$0x1ED00] =	vst v63  }
0x5b: {  	_ = 	snop  }
0x5c: {  	[spmem:s3] =	stream.indirect.scatter.add.f32 [tilespmem:s24], [sflag:$0x5], $0x80, s0, s26, $0xb8;
	[tilespmem:$0x1ED00] =	vst v63  }
0x5d: {  	_ =	swait.ge [sflag:s18], $0x4000  }
0x5e: {  	[sflag:s18] =	ssyncset.done $0x0  }
0x5f: {  	[sflag:s18] =	ssyncadd.s32 $0xFFFFC000  }
0x60: {  	_ =	swait.ge [sflag:s23], $0x80  }
0x61: {  	s29 =	sadd.s32 $0x100, s17;
	[sflag:s23] =	ssyncset.done $0x0  }
0x62: {  	s2 =	simm.s32 $0x20;
	s0 =	simm.s32 $0x180;
	[sflag:s23] =	ssyncadd.s32 $0xFFFFFF80  }
.LBB2_4:
0x63: {  	[tilespmem:s24], [sflag:$0x4] =	stream.indirect.gather [hbm4b:s1+s26], $0x80, s21, s26, $0xb8;
	[tilespmem:$0x1ED00] =	vst v63  }
0x64: {  	s30 =	smov.u32 s2  }
0x65: {  	p0 =	sne.s32 s2, $0x4E0;
	s2 =	sadd.s32 $0x20, s2;
	_ =	swait.ge [sflag:s25], $0x4000  }
0x66: {  	s6 =	sshrl.u32 s29, $0x3;
	[sflag:s25] =	ssyncset.done $0x0  }
0x67: {  	s6 =	sadd.s32 s5, s6;
	[sflag:s25] =	ssyncadd.s32 $0xFFFFC000  }
0x68: {  	[tilespmem:s20], [sflag:$0x1] =	stream.linear.gather [hbm4b:s6+s4], $0x80, $0x38;
	[tilespmem:$0x1ED00] =	vst v63  }
0x69: {  	s6 =	sadd.s32 $0xFFFFFF80, s0  }
0x6a: {  	[spmem:s3] =	stream.indirect.scatter.add.f32 [tilespmem:s19], [sflag:$0x5], $0x80, s6, s26, $0xb8;
	[tilespmem:$0x1ED00] =	vst v63  }
0x6b: {  	_ =	swait.ge [sflag:s18], $0x4000  }
0x6c: {  	[sflag:s18] =	ssyncset.done $0x0  }
0x6d: {  	[sflag:s18] =	ssyncadd.s32 $0xFFFFC000  }
0x6e: {  	_ =	swait.ge [sflag:s22], $0x80  }
0x6f: {  	[sflag:s22] =	ssyncset.done $0x0  }
0x70: {  	[sflag:s22] =	ssyncadd.s32 $0xFFFFFF80  }
0x71: {  	[tilespmem:s19], [sflag:$0x3] =	stream.indirect.gather [hbm4b:s1+s26], $0x80, s20, s26, $0xb8;
	[tilespmem:$0x1ED00] =	vst v63  }
0x72: {  	_ =	swait.ge [sflag:s28], $0x4000  }
0x73: {  	[sflag:s28] =	ssyncset.done $0x0  }
0x74: {  	s6 =	sadd.s32 s30, s16;
	[sflag:s28] =	ssyncadd.s32 $0xFFFFC000  }
0x75: {  	[tilespmem:s21], [sflag:$0x2] =	stream.linear.gather [hbm4b:s6+s4], $0x80, $0x38;
	[tilespmem:$0x1ED00] =	vst v63  }
0x76: {  	_ = 	snop  }
0x77: {  	[spmem:s3] =	stream.indirect.scatter.add.f32 [tilespmem:s24], [sflag:$0x5], $0x80, s0, s26, $0xb8;
	[tilespmem:$0x1ED00] =	vst v63  }
0x78: {  	_ =	swait.ge [sflag:s18], $0x4000  }
.Ltmp1:
0x79: {  	[sflag:s18] =	ssyncset.done $0x0;
	(pc) =	sbr.rel @p0 .LBB2_4-.Ltmp1, $4  }
0x7a: {  	[sflag:s18] =	ssyncadd.s32 $0xFFFFC000  }
0x7b: {  	_ =	swait.ge [sflag:s23], $0x80  }
0x7c: {  	[sflag:s23] =	ssyncset.done $0x0  }
0x7d: {  	s29 =	sadd.s32 $0x100, s29;
	s0 =	sadd.s32 $0x100, s0;
	[sflag:s23] =	ssyncadd.s32 $0xFFFFFF80  }
0x7e: {  	[tilespmem:s24], [sflag:$0x4] =	stream.indirect.gather [hbm4b:s1+s26], $0x80, s21, s26, $0xb8;
	[tilespmem:$0x1ED00] =	vst v63  }
0x7f: {  	_ =	swait.ge [sflag:s25], $0x4000  }
0x80: {  	[sflag:s25] =	ssyncset.done $0x0  }
0x81: {  	s0 =	simm.s32 $0x2800;
	[sflag:s25] =	ssyncadd.s32 $0xFFFFC000  }
0x82: {  	[spmem:s3] =	stream.indirect.scatter.add.f32 [tilespmem:s19], [sflag:$0x5], $0x80, s0, s26, $0xb8;
	[tilespmem:$0x1ED00] =	vst v63  }
0x83: {  	_ =	swait.ge [sflag:s18], $0x4000  }
0x84: {  	[sflag:s18] =	ssyncset.done $0x0  }
0x85: {  	[sflag:s18] =	ssyncadd.s32 $0xFFFFC000  }
0x86: {  	_ =	swait.ge [sflag:s28], $0x4000  }
0x87: {  	[sflag:s28] =	ssyncset.done $0x0  }
0x88: {  	s29 =	simm.s32 $0x2880;
	[sflag:s28] =	ssyncadd.s32 $0xFFFFC000  }
0x89: {  	[spmem:s3] =	stream.indirect.scatter.add.f32 [tilespmem:s24], [sflag:$0x5], $0x80, s29, s26, $0xb8;
	[tilespmem:$0x1ED00] =	vst v63  }
0x8a: {  	s30 =	stileid.u32;
	_ =	swait.ge [sflag:s18], $0x4000  }
0x8b: {  	s2 =	sshrl.u32 s7, $0x3;
	s31 =	sadd.s32 $0x1, s31;
	[sflag:s18] =	ssyncset.done $0x0  }
0x8c: {  	p0 =	sne.s32 s31, s15;
	s0 =	sshll.u32 s30, $0x6;
	[sflag:s18] =	ssyncadd.s32 $0xFFFFC000  }
.Ltmp2:
0x8d: {  	s0 =	sor.u32 $0x1C05, s0;
	[bflag:$0x0] =	sbarrier.arrive $0xFFFF;
	(pc) =	sbr.rel @p0 .LBB2_1-.Ltmp2, $4  }
0x8e: {  	[hbm:s14], [sflag:s0] =	dma.local [spmem:s2], $0x2800  }
0x8f: {  	_ =	swait.ge [sflag:s18], $0x2800  }
0x90: {  	[sflag:s18] =	ssyncset.done $0x0  }
0x91: {  	[sflag:s18] =	ssyncadd.s32 $0xFFFFD800  }
0x92: {  	_ =	sfence.sel $0x180000  }
0x93: {  	[bflag:$0x0] =	sbarrier.arrive $0xFFFF  }
0x94: {  	_ =	strace $0x9000004D  }
0x95: {  	s0 =	stileid.u32;
	[bflag:$0x2] =	sbarrier.arrive $0xFFFF  }
0x96: {  	p0 =	sne.s32 s0, $0x0;
	s0 =	rddreg [dreg:$0x3]  }
0x97: {  	s0 =	sadd.s32 @!p0 $0x100000, s0  }
0x98: {  	[sflag:s0] =	ssyncadd.tile.s32 @!p0 $0x1;
	_ =	shalt  }
.Lfunc_end2:
_tile_overlayer_lowered:
.L_overlay_start_2:
0x99: {  	(tag) =	ssettag $0x2  }
0x9a: {  	s0 =	rddreg [dreg:$0x0];
	s2 =	stileid.u32  }
0x9b: {  	s1 =	rddreg [dreg:$0x1];
	p0 =	sne.s32 s2, $0x0  }
0x9c: {  	s3 =	rddreg [dreg:$0x2];
	[bflag:$0x3] =	sbarrier.arrive $0xFFFF;
	s2 =	simm.s32 @!p0 $0x1C05  }
0x9d: {  	[timem:s3], [sflag:s2] =	dma.local @!p0 [hbm:s0], s1  }
0x9e: {  	s0 =	simm.s32 @!p0 $0x5  }
0x9f: {  	_ =	swait.ge @!p0 [sflag:s0], s1  }
0xa0: {  	s1 =	ssub.s32 @!p0 $0x0, s1;
	[sflag:s0] =	ssyncset.done @!p0 $0x0  }
0xa1: {  	[sflag:s0] =	ssyncadd.s32 @!p0 s1  }
0xa2: {  	[bflag:$0x3] =	sbarrier.arrive $0xFFFF  }
0xa3: {  	_ =	shalt  }

// kernel: kernel.8.cloned.1.call-start
scs
__scs_entry_jumppad:
0x0: {  	(pc) =	sbr.rel $0x88, $3  }
0x1: {  	(tag) =	ssettag $0x0;
	lr =	simm.s32 $0x1  }
0x2: {  	[smem:$0x3F9B] =	sst lr;
	_ =	strace $0xD0000000  }
0x3: {  	_ = 	snop  }
0x4: {  	_ = 	snop  }
0x5: {  	_ = 	snop  }
0x6: {  	_ = 	snop  }
0x7: {  	_ = 	snop  }
__scs_overlays_trampoline_lowered:
0x8: {  	[smem:$0x3FAA] =	sst s0  }
0x9: {  	[smem:$0x3FAB] =	sst s1  }
0xa: {  	[smem:$0x3FAC] =	sst s2  }
0xb: {  	[smem:$0x3FAD] =	sst s3  }
0xc: {  	[smem:$0x3FAE] =	sst s4  }
0xd: {  	[smem:$0x3FAF] =	sst s5  }
0xe: {  	[smem:$0x3FB0] =	sst s6  }
0xf: {  	[smem:$0x3FB1] =	sst s7  }
0x10: {  	[smem:$0x3FB2] =	sst s8  }
0x11: {  	[smem:$0x3FB3] =	sst s9;
	s0 =	simm.s32 @!p0 $0x0  }
0x12: {  	s1 =	sld [smem:$0x3F99];
	s0 =	simm.s32 @p0 $0x1  }
0x13: {  	[smem:$0x3FB4] =	sst s0;
	s0 =	simm.s32 @!p1 $0x0  }
0x14: {  	s2 =	sld [smem:$0x3F98];
	s0 =	simm.s32 @p1 $0x1  }
0x15: {  	[smem:$0x3FB5] =	sst s0;
	s0 =	simm.s32 @!p2 $0x0  }
0x16: {  	s3 =	sld [smem:$0x3FDB];
	s0 =	simm.s32 @p2 $0x1  }
0x17: {  	s4 =	simm.s32 $0x1BF5;
	[smem:$0x3FB7] =	sst s0  }
0x18: {  	s0 =	sld [smem:$0x3F9A];
	_ =	swait.ge [sflag:s4], $0x0  }
0x19: {  	s7 =	sld [smem:$0x3F9B]  }
0x1a: {  	s8 =	sadd.s32 $0xFFFFE003, lr  }
0x1b: {  	s9 =	sadd.s32 $0xFFFFFEF7, lr;
	s5 =	simm.s32 $0xFFFFFFFF;
	p2 =	slt.u32 s8, $0xFFFFF086  }
0x1c: {  	p1 =	slt.u32 s9, $0xF7A;
	s5 =	simm.s32 @!p2 $0x0  }
0x1d: {  	s5 =	simm.s32 @p1 $0x1;
	p0 =	seq.s32 s7, s2  }
0x1e: {  	s7 =	smul.u32 @!p0 $0xF7A, s2;
	p2 =	seq.s32 @!p0 s5, $0x0  }
0x1f: {  	s9 =	smul.u32 $0xF7A, s1;
	s8 =	simm.s32 @!p0 $0x1BF5;
	p2 =	por !p2, p0  }
0x20: {  	[sflag:s8] =	ssyncset.s32 @!p0 $0xFFFFF086;
	s6 =	sadd.s32 @!p0 s3, s7;
	s7 =	simm.s32 @!p0 $0x108  }
0x21: {  	s3 =	sadd.s32 s3, s9;
	s6 =	sadd.s32 @!p0 $0x88, s6;
	s7 =	simm.s32 @p2 $0x1082  }
0x22: {  	[simem:s7], [sflag:s8] =	dma.local @!p0 [hbm:s6], $0xF7A  }
0x23: {  	s9 =	sor.u32 $0xD0000000, s2;
	s6 =	simm.s32 $0x108;
	_ =	swait.ge @!p0 [sflag:s8], $0x0  }
0x24: {  	s3 =	sadd.s32 $0x88, s3;
	s6 =	simm.s32 @!p1 $0x1082;
	[sflag:s4] =	ssyncset.s32 $0xFFFFF086  }
0x25: {  	[simem:s6], [sflag:s4] =	dma.local [hbm:s3], $0xF7A  }
0x26: {  	[smem:$0x3F9B] =	sst s1;
	(tag) =	ssettag s2;
	_ =	strace s9  }
0x27: {  	s1 =	sld [smem:$0x3FAB]  }
0x28: {  	s2 =	sld [smem:$0x3FAC]  }
0x29: {  	s4 =	sld [smem:$0x3FAE]  }
0x2a: {  	p0 =	seq.s32 s5, $0x0;
	s5 =	sld [smem:$0x3FAF]  }
0x2b: {  	s6 =	sld [smem:$0x3FB0]  }
0x2c: {  	s7 =	sld [smem:$0x3FB1]  }
0x2d: {  	s3 =	simm.s32 $0x108;
	s8 =	sld [smem:$0x3FB2]  }
0x2e: {  	s3 =	simm.s32 @!p0 $0x1082;
	s9 =	sld [smem:$0x3FB3]  }
0x2f: {  	lr =	sadd.s32 s0, s3;
	s0 =	sld [smem:$0x3FAA]  }
0x30: {  	s3 =	sld [smem:$0x3FAD]  }
0x31: {  	[smem:$0x3FB6] =	sst s10  }
0x32: {  	s10 =	sld [smem:$0x3FB4];
	_ =	sdelay $0x3  }
0x33: {  	p0 =	seq.s32 s10, $0x1;
	s10 =	sld [smem:$0x3FB6];
	_ =	sdelay $0x3  }
0x34: {  	[smem:$0x3FB6] =	sst s10  }
0x35: {  	s10 =	sld [smem:$0x3FB5];
	_ =	sdelay $0x3  }
0x36: {  	p1 =	seq.s32 s10, $0x1;
	s10 =	sld [smem:$0x3FB6];
	_ =	sdelay $0x3  }
0x37: {  	[smem:$0x3FB6] =	sst s10  }
0x38: {  	s10 =	sld [smem:$0x3FB7]  }
0x39: {  	_ = 	snop;
	(pc) =	sbr.ind lr, $3  }
0x3a: {  	_ = 	snop  }
0x3b: {  	_ = 	snop  }
0x3c: {  	p2 =	seq.s32 s10, $0x1;
	s10 =	sld [smem:$0x3FB6]  }
0x3d: {  	_ =	shalt  }
0x3e: {  	_ =	shalt  }
0x3f: {  	_ =	shalt  }
0x40: {  	_ =	shalt  }
0x41: {  	_ =	shalt  }
0x42: {  	_ =	shalt  }
0x43: {  	_ =	shalt  }
0x44: {  	_ =	shalt  }
0x45: {  	_ =	shalt  }
0x46: {  	_ =	shalt  }
0x47: {  	_ =	shalt  }
0x48: {  	_ =	shalt  }
0x49: {  	_ =	shalt  }
0x4a: {  	_ =	shalt  }
0x4b: {  	_ =	shalt  }
0x4c: {  	_ =	shalt  }
0x4d: {  	_ =	shalt  }
0x4e: {  	_ =	shalt  }
0x4f: {  	_ =	shalt  }
0x50: {  	_ =	shalt  }
0x51: {  	_ =	shalt  }
0x52: {  	_ =	shalt  }
0x53: {  	_ =	shalt  }
0x54: {  	_ =	shalt  }
0x55: {  	_ =	shalt  }
0x56: {  	_ =	shalt  }
0x57: {  	_ =	shalt  }
0x58: {  	_ =	shalt  }
0x59: {  	_ =	shalt  }
0x5a: {  	_ =	shalt  }
0x5b: {  	_ =	shalt  }
0x5c: {  	_ =	shalt  }
0x5d: {  	_ =	shalt  }
0x5e: {  	_ =	shalt  }
0x5f: {  	_ =	shalt  }
0x60: {  	_ =	shalt  }
0x61: {  	_ =	shalt  }
0x62: {  	_ =	shalt  }
0x63: {  	_ =	shalt  }
0x64: {  	_ =	shalt  }
0x65: {  	_ =	shalt  }
0x66: {  	_ =	shalt  }
0x67: {  	_ =	shalt  }
0x68: {  	_ =	shalt  }
0x69: {  	_ =	shalt  }
0x6a: {  	_ =	shalt  }
0x6b: {  	_ =	shalt  }
0x6c: {  	_ =	shalt  }
0x6d: {  	_ =	shalt  }
0x6e: {  	_ =	shalt  }
0x6f: {  	_ =	shalt  }
0x70: {  	_ =	shalt  }
0x71: {  	_ =	shalt  }
0x72: {  	_ =	shalt  }
0x73: {  	_ =	shalt  }
0x74: {  	_ =	shalt  }
0x75: {  	_ =	shalt  }
0x76: {  	_ =	shalt  }
0x77: {  	_ =	shalt  }
0x78: {  	_ =	shalt  }
0x79: {  	_ =	shalt  }
0x7a: {  	_ =	shalt  }
0x7b: {  	_ =	shalt  }
0x7c: {  	_ =	shalt  }
0x7d: {  	_ =	shalt  }
0x7e: {  	_ =	shalt  }
0x7f: {  	_ =	shalt  }
0x80: {  	_ =	shalt  }
0x81: {  	_ =	shalt  }
0x82: {  	_ =	shalt  }
0x83: {  	_ =	shalt  }
0x84: {  	_ =	shalt  }
0x85: {  	_ =	shalt  }
0x86: {  	_ =	shalt  }
0x87: {  	_ =	shalt  }
.Lfunc_end0:
.L_simem_size_0:
called_computation_lowered:
.L_overlay_start_0:
0x88: {  	s2 =	sld [smem:$0x3FD9]  }
0x89: {  	s3 =	sld [smem:$0x3FFE];
	_ =	sdelay $0x1  }
0x8a: {  	s1 =	srdreg.scid  }
0x8b: {  	s0 =	sand.u32 $0x1, s1  }
0x8c: {  	s17 =	sshll.u32 s0, $0xA;
	s2 =	sadd.s32 s3, s2  }
0x8d: {  	s2 =	sadd.s32 s2, s17  }
0x8e: {  	[smem:$0x3FC2] =	sst s2  }
0x8f: {  	_ = 	snop  }
0x90: {  	s2 =	sld [smem:$0x3FD0];
	(tm) =	ssettm $0x1  }
0x91: {  	s18 =	sld [smem:$0x3FFB];
	_ =	sdelay $0x3  }
0x92: {  	_ =	strace s18  }
0x93: {  	s3 =	sld [smem:$0x3FFC];
	_ =	sdelay $0x3  }
0x94: {  	_ =	strace s3  }
0x95: {  	s3 =	sld [smem:$0x3FFD];
	_ =	sdelay $0x3  }
0x96: {  	_ =	strace s3  }
0x97: {  	_ =	strace $0x8FFFFFFF  }
0x98: {  	s19 =	sld [smem:$0x3FDB];
	_ =	sdelay $0x1  }
0x99: {  	s4 =	simm.s32 $_scs_section_size  }
0x9a: {  	s5 =	simm.s32 $_size__tile_overlayer_lowered;
	s6 =	simm.s32 $_tile_overlayer_lowered  }
0x9b: {  	s22 =	simm.s32 $0x1BFF;
	s21 =	sshll.u32 s6, $0x1;
	s3 =	sadd.s32 s4, s19  }
0x9c: {  	s7 =	simm.s32 $0x0;
	s20 =	sshll.u32 s5, $0x1;
	s5 =	sadd.s32 s21, s3  }
0x9d: {  	[timem:s7], [sflag:s22] =	dma.local [hbm:s5], s20  }
0x9e: {  	_ =	swait.ge [sflag:s22], s20  }
0x9f: {  	s4 =	ssub.s32 $0x0, s20;
	[sflag:s22] =	ssyncset.done $0x0  }
0xa0: {  	[sflag:s22] =	ssyncadd.s32 s4;
	_ =	sdelay $0x1  }
0xa1: {  	s23 =	simm.s32 $0x1B8B  }
0xa2: {  	_ =	swait.ge [sflag:s23], $0x1  }
0xa3: {  	[sflag:s23] =	ssyncset.done $0x0  }
0xa4: {  	s25 =	simm.s32 $0x1B8E;
	s24 =	sld [smem:$0x3FFE];
	[sflag:s23] =	ssyncadd.s32 $0xFFFFFFFF  }
0xa5: {  	s26 =	simm.s32 $execute0_lowered;
	[smem:$0x3FD2] =	sst s25  }
0xa6: {  	s5 =	sshll.u32 s26, $0x1;
	_ =	strace $0x80000046;
	[dreg:$0x1] =	wrdreg $0xFFFFFFFF  }
0xa7: {  	s28 =	simm.s32 $_size_execute0_lowered;
	s3 =	sadd.s32 s3, s5;
	[dreg:$0x0] =	wrdreg $0x0  }
0xa8: {  	s5 =	sshll.u32 s28, $0x1;
	[dreg:$0x2] =	wrdreg s3  }
0xa9: {  	[dreg:$0x3] =	wrdreg s5  }
0xaa: {  	[dreg:$0x4] =	wrdreg $0xC0  }
0xab: {  	_ =	task [dreg:s7], $0x5FFFF  }
0xac: {  	[dreg:$0x1] =	wrdreg $0xFFFFFFFF  }
0xad: {  	[dreg:$0x0] =	wrdreg $0x60  }
0xae: {  	[dreg:$0x2] =	wrdreg s2  }
0xaf: {  	[dreg:$0x3] =	wrdreg s24  }
0xb0: {  	[dreg:$0x4] =	wrdreg $0x2F000  }
0xb1: {  	[dreg:$0x5] =	wrdreg $0x9  }
0xb2: {  	_ =	task.clear_ibuf [dreg:s7], $0x6FFFF;
	_ =	strace $0x90000046  }
0xb3: {  	s29 =	simm.s32 $0x9;
	_ =	strace $0x80000048  }
0xb4: {  	_ =	swait.ge [sflag:s29], $0x1  }
0xb5: {  	[sflag:s29] =	ssyncadd.s32 $0xFFFFFFFF  }
0xb6: {  	_ =	strace $0x90000048  }
0xb7: {  	_ =	sfence  }
0xb8: {  	s30 =	sld [smem:$0x0];
	_ =	sdelay $0x2  }
0xb9: {  	s31 =	sshll.u32 s1, $0xD;
	s1 =	sshrl.u32 s1, $0x2  }
0xba: {  	s3 =	sand.u32 $0x4000, s31;
	s1 =	sadd.s32 s1, s30  }
0xbb: {  	s0 =	sor.u32 s3, s0;
	s1 =	sshll.u32 s1, $0x11  }
0xbc: {  	s0 =	sor.u32 s1, s0  }
0xbd: {  	s0 =	sadd.s32 $0x8F2B, s0  }
0xbe: {  	[sflag:s0] =	ssyncadd.remote.s32 $0x1  }
0xbf: {  	_ =	sfence.sel $0xFFFF  }
0xc0: {  	[dreg:$0x0] =	wrdreg $0xFFFFFFFF;
	(pc) =	sbr.abs _section_cstart, $3  }
0xc1: {  	[dreg:$0x1] =	wrdreg $0xFFFFFFFF  }
0xc2: {  	_ =	task.clear_ibuf [dreg:s7], $0x2FFFF;
	_ =	strace $0x9FFFFFFF  }
0xc3: {  	(tm) =	ssettm $0x7FFFFFFF  }
tec
execute0_lowered:
.L_overlay_start_1:
0x0: {  	(tag) =	ssettag $0x1  }
0x1: {  	s5 =	rddreg [dreg:$0x0]  }
0x2: {  	s4 =	rddreg [dreg:$0x1]  }
0x3: {  	s2 =	rddreg [dreg:$0x2]  }
0x4: {  	s0 =	rddreg [dreg:$0x3]  }
0x5: {  	s3 =	simm.s32 $0x0;
	s6 =	srdreg.scid;
	s1 =	stileid.u32  }
0x6: {  	s11 =	simm.s32 $0x2C00;
	s14 =	simm.s32 $0x20;
	s15 =	simm.s32 $0x10  }
0x7: {  	s16 =	simm.s32 $0x0;
	[smem:$0x7FF] =	sst s3;
	s7 =	smul.u32 $0x500, s1  }
0x8: {  	s6 =	sand.u32 $0x1, s6;
	s9 =	sshll.u32 s1, $0x1;
	s30 =	smul.u32 $0xA00, s1  }
0x9: {  	s12 =	sshll.u32 s1, $0x6;
	_ =	strace $0x80000047;
	s8 =	sshll.u32 s6, $0x7  }
0xa: {  	s29 =	sor.u32 s6, s9;
	s6 =	ssub.s32 $0x2, s6;
	s12 =	sor.u32 $0x1C01, s12  }
0xb: {  	s7 =	sor.u32 s8, s7;
	s8 =	smul.u32 $0x580, s29;
	s31 =	sshrl.u32 s6, $0x1  }
0xc: {  	s9 =	sshrl.u32 s30, $0x2;
	s7 =	sshrl.u32 s7, $0x3;
	s10 =	ssub.s32 s6, s31  }
0xd: {  	s7 =	sadd.s32 s7, s4;
	s4 =	sadd.s32 s9, s2;
	s5 =	sadd.s32 s5, s8  }
0xe: {  	s8 =	simm.s32 $0x2C80;
	s9 =	simm.s32 $0x1;
	s6 =	sadd.s32 $0x1A00, s7  }
0xf: {  	v0 =	vimm.f32 $1.000000000e+00;
	v1 =	vimm.f32 $0.0e+00;
	s7 =	smax.u32 s10, $0x1;
	s10 =	simm.s32 $0x80;
	s13 =	sshrl.u32 s4, $0x3  }
.LBB2_1:
0x10: {  	[tilespmem:$0x2C00] =	vst v0  }
0x11: {  	[tilespmem:$0x2C10] =	vst v0  }
0x12: {  	[tilespmem:$0x2C20] =	vst v0  }
0x13: {  	[tilespmem:$0x2C30] =	vst v0  }
0x14: {  	[tilespmem:$0x2C40] =	vst v0  }
0x15: {  	[tilespmem:$0x2C50] =	vst v0  }
0x16: {  	[tilespmem:$0x2C60] =	vst v0  }
0x17: {  	[tilespmem:$0x2C70] =	vst v0  }
0x18: {  	[tilespmem:$0x2C80] =	vst v1  }
0x19: {  	[tilespmem:$0x2C90] =	vst v1  }
0x1a: {  	[tilespmem:$0x2CA0] =	vst v1  }
0x1b: {  	[tilespmem:$0x2CB0] =	vst v1  }
0x1c: {  	[tilespmem:$0x2CC0] =	vst v1  }
0x1d: {  	[tilespmem:$0x2CD0] =	vst v1  }
0x1e: {  	[tilespmem:$0x2CE0] =	vst v1  }
0x1f: {  	[tilespmem:$0x2CF0] =	vst v1  }
0x20: {  	[tilespmem:$0x2D00] =	vst v1  }
0x21: {  	[tilespmem:$0x2D10] =	vst v1  }
0x22: {  	[tilespmem:$0x2D20] =	vst v1  }
0x23: {  	[tilespmem:$0x2D30] =	vst v1  }
0x24: {  	[tilespmem:$0x2D40] =	vst v1  }
0x25: {  	[tilespmem:$0x2D50] =	vst v1  }
0x26: {  	[tilespmem:$0x2D60] =	vst v1  }
0x27: {  	[tilespmem:$0x2D70] =	vst v1  }
0x28: {  	[tilespmem:$0x2D80] =	vst v1  }
0x29: {  	[tilespmem:$0x2D90] =	vst v1  }
0x2a: {  	[tilespmem:$0x2DA0] =	vst v1  }
0x2b: {  	[tilespmem:$0x2DB0] =	vst v1  }
0x2c: {  	[tilespmem:$0x2DC0] =	vst v1  }
0x2d: {  	[tilespmem:$0x2DD0] =	vst v1  }
0x2e: {  	[tilespmem:$0x2DE0] =	vst v1  }
0x2f: {  	[tilespmem:$0x2DF0] =	vst v1  }
0x30: {  	[tilespmem:$0x2E00] =	vst v1  }
0x31: {  	[tilespmem:$0x2E10] =	vst v1  }
0x32: {  	[tilespmem:$0x2E20] =	vst v1  }
0x33: {  	[tilespmem:$0x2E30] =	vst v1  }
0x34: {  	[tilespmem:$0x2E40] =	vst v1  }
0x35: {  	[tilespmem:$0x2E50] =	vst v1  }
0x36: {  	[tilespmem:$0x2E60] =	vst v1  }
0x37: {  	[tilespmem:$0x2E70] =	vst v1  }
0x38: {  	[tilespmem:$0x2E80] =	vst v1  }
0x39: {  	[tilespmem:$0x2E90] =	vst v1  }
0x3a: {  	[tilespmem:$0x2EA0] =	vst v1  }
0x3b: {  	[tilespmem:$0x2EB0] =	vst v1  }
0x3c: {  	[tilespmem:$0x2EC0] =	vst v1  }
0x3d: {  	[tilespmem:$0x2ED0] =	vst v1  }
0x3e: {  	[tilespmem:$0x2EE0] =	vst v1  }
0x3f: {  	[tilespmem:$0x2EF0] =	vst v1  }
0x40: {  	[spmem:s4] =	stream.linear.scatter [tilespmem:s8], [sflag:$0x1], $0x280, $0x38;
	[tilespmem:$0x3180] =	vst v63  }
0x41: {  	_ =	swait.ge [sflag:s9], $0x280  }
0x42: {  	[sflag:s9] =	ssyncset.done $0x0  }
0x43: {  	[sflag:s9] =	ssyncadd.s32 $0xFFFFFD80  }
0x44: {  	[bflag:$0x0] =	sbarrier.arrive $0xFFFF  }
0x45: {  	[tilespmem:s3], [sflag:$0x1] =	stream.linear.gather [hbm4b:s5+s3], $0x2900, $0x38;
	[tilespmem:$0x3180] =	vst v63  }
0x46: {  	_ =	swait.ge [sflag:s9], $0x2900  }
0x47: {  	[sflag:s9] =	ssyncset.done $0x0  }
0x48: {  	s17 =	simm.s32 $0x0;
	[sflag:s9] =	ssyncadd.s32 $0xFFFFD700  }
0x49: {  	[spmem:s2] =	stream.indirect.scatter.add.f32 [tilespmem:s11], [sflag:$0x1], $0x1, s17, s10, $0xb8;
	[tilespmem:$0x3180] =	vst v63  }
0x4a: {  	_ =	swait.ge [sflag:s9], $0x80  }
0x4b: {  	s17 =	simm.s32 $0x200;
	[sflag:s9] =	ssyncset.done $0x0  }
.LBB2_2:
0x4c: {  	s18 =	sshra.s32 s17, $0x2;
	[sflag:s9] =	ssyncadd.s32 $0xFFFFFF80;
	p0 =	sne.s32 s17, $0xA200  }
0x4d: {  	[spmem:s2] =	stream.indirect.scatter.add.f32 [tilespmem:s11], [sflag:$0x1], $0x1, s18, s10, $0xb8;
	[tilespmem:$0x3180] =	vst v63  }
.Ltmp0:
0x4e: {  	_ = 	snop;
	(pc) =	sbr.rel @p0 .LBB2_2-.Ltmp0, $4  }
0x4f: {  	_ = 	snop  }
0x50: {  	s17 =	sadd.s32 $0x200, s17  }
0x51: {  	_ =	swait.ge [sflag:s9], $0x80  }
0x52: {  	[sflag:s9] =	ssyncset.done $0x0  }
0x53: {  	s16 =	sadd.s32 $0x1, s16  }
0x54: {  	[sflag:s9] =	ssyncadd.s32 $0xFFFFFF80;
	p0 =	sne.s32 s16, s7  }
.Ltmp1:
0x55: {  	[bflag:$0x0] =	sbarrier.arrive $0xFFFF;
	(pc) =	sbr.rel @p0 .LBB2_1-.Ltmp1, $4  }
0x56: {  	[hbm:s6@s14], [sflag:s12] =	dma.strided [spmem:s13@s15], $0x50, s9, $0x10   }
0x57: {  	_ =	swait.ge [sflag:s9], $0x50  }
0x58: {  	[sflag:s9] =	ssyncset.done $0x0  }
0x59: {  	[sflag:s9] =	ssyncadd.s32 $0xFFFFFFB0  }
0x5a: {  	_ =	sfence.sel $0x180000  }
0x5b: {  	[bflag:$0x0] =	sbarrier.arrive $0xFFFF  }
0x5c: {  	p0 =	sne.s32 s1, $0x0;
	_ =	strace $0x90000047  }
0x5d: {  	s0 =	sadd.s32 @!p0 $0x100000, s0;
	[bflag:$0x2] =	sbarrier.arrive $0xFFFF  }
0x5e: {  	[sflag:s0] =	ssyncadd.tile.s32 @!p0 $0x1;
	_ =	shalt  }
.Lfunc_end2:
_tile_overlayer_lowered:
.L_overlay_start_2:
0x5f: {  	(tag) =	ssettag $0x2  }
0x60: {  	s0 =	rddreg [dreg:$0x0];
	s2 =	stileid.u32  }
0x61: {  	s1 =	rddreg [dreg:$0x1];
	p0 =	sne.s32 s2, $0x0  }
0x62: {  	s3 =	rddreg [dreg:$0x2];
	[bflag:$0x3] =	sbarrier.arrive $0xFFFF;
	s2 =	simm.s32 @!p0 $0x1C01  }
0x63: {  	[timem:s3], [sflag:s2] =	dma.local @!p0 [hbm:s0], s1  }
0x64: {  	s0 =	simm.s32 @!p0 $0x1  }
0x65: {  	_ =	swait.ge @!p0 [sflag:s0], s1  }
0x66: {  	s1 =	ssub.s32 @!p0 $0x0, s1;
	[sflag:s0] =	ssyncset.done @!p0 $0x0  }
0x67: {  	[sflag:s0] =	ssyncadd.s32 @!p0 s1  }
0x68: {  	[bflag:$0x3] =	sbarrier.arrive $0xFFFF  }
0x69: {  	_ =	shalt  }

</sc_bundles>
